<compile_context>
chip_gen: v7x
topology: tpu7x:2x2x1
jax: 0.10.2.dev20260603
libtpu: 0.0.44.dev20260713+nightly
codegen_flags: <defaults>
</compile_context>

<pallas_src>
import functools

import jax
import jax.numpy as jnp
from jax import lax
from jax.experimental import pallas as pl
from jax.experimental.pallas import tpu as pltpu
from jax.experimental.pallas import tpu_sc as plsc

N = 10000
E = 320000
D = 128
NC = 2
NS = 16
NW = NC * NS
EPW = E // NW
BATCH = 80
NB = EPW // BATCH
DW = 8
RQ = 624
TAIL_BASE = RQ * NS
TAIL = N - TAIL_BASE

_mesh = plsc.VectorSubcoreMesh(core_axis_name="c", subcore_axis_name="s")


def _striped_copy(src, dst, s):
    base = s * RQ
    pltpu.sync_copy(src.at[pl.ds(base, RQ)], dst.at[pl.ds(base, RQ)])

    @pl.when(s == NS - 1)
    def _():
        pltpu.sync_copy(src.at[pl.ds(TAIL_BASE, TAIL)],
                        dst.at[pl.ds(TAIL_BASE, TAIL)])



def _deg_body(didx_hbm, ones_hbm, zeros_hbm, deg_hbm, shared_deg, idx_v, ones_v):
    c = lax.axis_index("c")
    s = lax.axis_index("s")
    wid = s * NC + c
    _striped_copy(zeros_hbm, shared_deg, s)
    pltpu.sync_copy(ones_hbm, ones_v)
    pltpu.sync_copy(didx_hbm.at[wid], idx_v)
    plsc.subcore_barrier()

    def body(g, carry):
        pltpu.sync_copy(ones_v, shared_deg.at[idx_v.at[g]], add=True)
        return carry

    lax.fori_loop(0, NB, body, 0)
    plsc.subcore_barrier()
    _striped_copy(shared_deg, deg_hbm.at[c], s)


_deg_kernel = functools.partial(
    pl.kernel,
    out_type=jax.ShapeDtypeStruct((NC, N, D), jnp.float32),
    mesh=_mesh,
    scratch_types=[
        pltpu.VMEM_SHARED((N, D), jnp.float32),
        pltpu.VMEM((NB, BATCH), jnp.int32),
        pltpu.VMEM((BATCH, D), jnp.float32),
    ],
)(_deg_body)



def _agg_body(sidx_hbm, didx_hbm, y_hbm, zeros_hbm, agg_hbm,
              shared_agg, sidx_v, didx_v, rows_v, gsem):
    c = lax.axis_index("c")
    s = lax.axis_index("s")
    wid = s * NC + c

    @pl.when(c == 0)
    def _():
        _striped_copy(y_hbm, shared_agg, s)

    @pl.when(c != 0)
    def _():
        _striped_copy(zeros_hbm, shared_agg, s)

    pltpu.sync_copy(sidx_hbm.at[wid], sidx_v)
    pltpu.sync_copy(didx_hbm.at[wid], didx_v)
    plsc.subcore_barrier()

    def body(g, carry):
        pltpu.async_copy(y_hbm.at[sidx_v.at[g]], rows_v, gsem).wait()
        pltpu.sync_copy(rows_v, shared_agg.at[didx_v.at[g]], add=True)
        return carry

    lax.fori_loop(0, NB, body, 0)
    plsc.subcore_barrier()
    _striped_copy(shared_agg, agg_hbm.at[c], s)


_agg_kernel = functools.partial(
    pl.kernel,
    out_type=jax.ShapeDtypeStruct((NC, N, D), jnp.float32),
    mesh=_mesh,
    scratch_types=[
        pltpu.VMEM_SHARED((N, D), jnp.float32),
        pltpu.VMEM((NB, BATCH), jnp.int32),
        pltpu.VMEM((NB, BATCH), jnp.int32),
        pltpu.VMEM((BATCH, D), jnp.float32),
        pltpu.SemaphoreType.DMA,
    ],
)(_agg_body)



def _mm_body(x_ref, w_ref, deg_ref, y_ref):
    deg = deg_ref[0, :, 0:1] + deg_ref[1, :, 0:1] + 1.0
    dis = lax.rsqrt(deg)
    xw = jnp.dot(x_ref[...], w_ref[...], preferred_element_type=jnp.float32)
    y_ref[...] = xw * dis


def _mm_kernel(x, w, deg):
    return pl.pallas_call(
        _mm_body,
        out_shape=jax.ShapeDtypeStruct((N, D), jnp.float32),
    )(x, w, deg)



def _fin_body(agg_ref, deg_ref, b_ref, out_ref):
    dis = lax.rsqrt(deg_ref[0, :, 0:1] + deg_ref[1, :, 0:1] + 1.0)
    out_ref[...] = (agg_ref[0] + agg_ref[1]) * dis + b_ref[...]


def _fin_kernel(agg, deg, b):
    return pl.pallas_call(
        _fin_body,
        out_shape=jax.ShapeDtypeStruct((N, D), jnp.float32),
    )(agg, deg, b)



def kernel(x, edge_index, W, b):
    ei = edge_index.astype(jnp.int32)
    src = ei[0].reshape(NW, NB, BATCH)
    dst = ei[1].reshape(NW, NB, BATCH)
    ones = jnp.ones((BATCH, D), jnp.float32)
    zeros = jnp.zeros((N, D), jnp.float32)

    deg2 = _deg_kernel(dst, ones, zeros)
    deg8 = deg2[:, :, :DW]
    y = _mm_kernel(x, W, deg8)
    agg2 = _agg_kernel(src, dst, y, zeros)
    return _fin_kernel(agg2, deg8, b.reshape(1, D))

# --- scband reference (transcript-rebuilt; emitter-appended) ---
"""Pipeline reference for scband-gcn-encoder-l1-18837726560469 (READ-ONLY COPY).

The authoritative reference and input builder live on the scoring server;
editing this copy changes nothing except your own understanding.
"""

import jax, jax.numpy as jnp
import numpy as np

N_NODES = 10000
N_EDGES = 320000
D_IN = 128
D_OUT = 128

def setup_inputs(seed: int = 0) -> dict:
    key = jax.random.key(seed)
    k1, k2, k3, k4 = jax.random.split(key, 4)
    x = jax.random.normal(k1, (N_NODES, D_IN), dtype=jnp.float32)
    edge_index = jax.random.randint(k2, (2, N_EDGES), 0, N_NODES, dtype=jnp.int64)
    # GCNConv learned params (glorot-ish scale)
    W = jax.random.normal(k3, (D_IN, D_OUT), dtype=jnp.float32) * (1.0 / np.sqrt(D_IN))
    b = jnp.zeros((D_OUT,), dtype=jnp.float32)
    return {"x": x, "edge_index": edge_index, "W": W, "b": b}

def reference(x, edge_index, W, b):
    # Faithful GCNConv (normalize=True, add_self_loops=True, bias=True), activation=None
    N = x.shape[0]
    src = edge_index[0]
    dst = edge_index[1]
    loop = jnp.arange(N, dtype=edge_index.dtype)
    src2 = jnp.concatenate([src, loop])
    dst2 = jnp.concatenate([dst, loop])
    w = jnp.ones(src2.shape[0], dtype=x.dtype)
    # symmetric normalization: deg computed on dst
    deg = jnp.zeros((N,), dtype=x.dtype).at[dst2].add(w)
    deg_inv_sqrt = jnp.where(deg > 0, deg ** -0.5, 0.0)
    norm = deg_inv_sqrt[src2] * w * deg_inv_sqrt[dst2]
    # linear transform then propagate
    xw = x @ W
    msg = xw[src2] * norm[:, None]
    out = jnp.zeros((N, xw.shape[1]), dtype=x.dtype).at[dst2].add(msg)
    out = out + b
    return out

if __name__ == "__main__":
    import jax
    _d = setup_inputs()
    print(jax.jit(kernel)(*tuple(_d.values())))

</pallas_src>

<mosaic_0001>
#map = affine_map<(d0, d1) -> (0, 0, 0)>
#map1 = affine_map<(d0, d1) -> (0, 0)>
module attributes {stable_mosaic.version = 14 : i64} {
  func.func @_deg_body(%arg0: i32, %arg1: i32, %arg2: memref<32x125x80xi32, #tpu.memory_space<hbm>>, %arg3: memref<80x128xf32, #tpu.memory_space<hbm>>, %arg4: memref<10000x128xf32, #tpu.memory_space<hbm>>, %arg5: memref<2x10000x128xf32, #tpu.memory_space<hbm>>, %arg6: memref<10000x128xf32, #tpu.memory_space<vmem_shared>>, %arg7: memref<125x80xi32, #tpu.memory_space<vmem>>, %arg8: memref<80x128xf32, #tpu.memory_space<vmem>>) attributes {dimension_semantics = [#tpu.dimension_semantics<core_parallel>, #tpu.dimension_semantics<subcore_parallel>], iteration_bounds = array<i64: 2, 16>, scalar_prefetch = 0 : i64, scratch_operands = 3 : i64, tpu.core_type = #tpu.core_type<sc_vector_subcore>, window_params = [{transform_indices = #map}, {transform_indices = #map1}, {transform_indices = #map1}, {transform_indices = #map}]} {
    %mul3A = arith.constant 2 : i32
    %mul3A_0 = arith.muli %arg1, %mul3A : i32
    %add3A = arith.addi %mul3A_0, %arg0 : i32
    %mul3A_1 = arith.constant 624 : i32
    %mul3A_2 = arith.muli %arg1, %mul3A_1 : i32
    "tpu.region"() ({
      %run_scoped3A = tpu.sem_alloc : memref<!tpu.dma_semaphore, #tpu.memory_space<semaphore_mem>>
      %dma_start3A = arith.constant 0 : i32
      %dma_start3A_18 = tpu.memref_slice %arg6[%mul3A_2, %dma_start3A] : memref<10000x128xf32, #tpu.memory_space<vmem_shared>> -> memref<624x128xf32, #tpu.memory_space<vmem_shared>>
      %dma_start3A_19 = arith.constant 0 : i32
      %dma_start3A_20 = tpu.memref_slice %arg4[%mul3A_2, %dma_start3A_19] : memref<10000x128xf32, #tpu.memory_space<hbm>> -> memref<624x128xf32, #tpu.memory_space<hbm>>
      tpu.enqueue_dma source(%dma_start3A_20 : memref<624x128xf32, #tpu.memory_space<hbm>>) target(%dma_start3A_18 : memref<624x128xf32, #tpu.memory_space<vmem_shared>>) target_semaphore(%run_scoped3A : memref<!tpu.dma_semaphore, #tpu.memory_space<semaphore_mem>>)
      %dma_wait3A = arith.constant 0 : i32
      %dma_wait3A_21 = tpu.memref_slice %arg6[%mul3A_2, %dma_wait3A] : memref<10000x128xf32, #tpu.memory_space<vmem_shared>> -> memref<624x128xf32, #tpu.memory_space<vmem_shared>>
      %dma_wait3A_22 = arith.constant 0 : i32
      %dma_wait3A_23 = tpu.memref_slice %arg4[%mul3A_2, %dma_wait3A_22] : memref<10000x128xf32, #tpu.memory_space<hbm>> -> memref<624x128xf32, #tpu.memory_space<hbm>>
      tpu.wait_dma2 semaphore(%run_scoped3A : memref<!tpu.dma_semaphore, #tpu.memory_space<semaphore_mem>>) src(%dma_wait3A_23 : memref<624x128xf32, #tpu.memory_space<hbm>>) dst(%dma_wait3A_21 : memref<624x128xf32, #tpu.memory_space<vmem_shared>>)
      tpu.yield
    }) : () -> ()
    %eq3A = arith.constant 15 : i32
    %eq3A_3 = arith.cmpi eq, %arg1, %eq3A : i32
    %convert_element_type3A = arith.extui %eq3A_3 : i1 to i32
    %cond3A = arith.constant 0 : i32
    %cond3A_4 = arith.cmpi ne, %convert_element_type3A, %cond3A : i32
    scf.if %cond3A_4 {
      "tpu.region"() ({
        %run_scoped3A = tpu.sem_alloc : memref<!tpu.dma_semaphore, #tpu.memory_space<semaphore_mem>>
        %dma_start3A = arith.constant 9984 : i32
        %dma_start3A_18 = arith.constant 0 : i32
        %dma_start3A_19 = tpu.memref_slice %arg6[%dma_start3A, %dma_start3A_18] : memref<10000x128xf32, #tpu.memory_space<vmem_shared>> -> memref<16x128xf32, #tpu.memory_space<vmem_shared>>
        %dma_start3A_20 = arith.constant 9984 : i32
        %dma_start3A_21 = arith.constant 0 : i32
        %dma_start3A_22 = tpu.memref_slice %arg4[%dma_start3A_20, %dma_start3A_21] : memref<10000x128xf32, #tpu.memory_space<hbm>> -> memref<16x128xf32, #tpu.memory_space<hbm>>
        tpu.enqueue_dma source(%dma_start3A_22 : memref<16x128xf32, #tpu.memory_space<hbm>>) target(%dma_start3A_19 : memref<16x128xf32, #tpu.memory_space<vmem_shared>>) target_semaphore(%run_scoped3A : memref<!tpu.dma_semaphore, #tpu.memory_space<semaphore_mem>>)
        %dma_wait3A = arith.constant 9984 : i32
        %dma_wait3A_23 = arith.constant 0 : i32
        %dma_wait3A_24 = tpu.memref_slice %arg6[%dma_wait3A, %dma_wait3A_23] : memref<10000x128xf32, #tpu.memory_space<vmem_shared>> -> memref<16x128xf32, #tpu.memory_space<vmem_shared>>
        %dma_wait3A_25 = arith.constant 9984 : i32
        %dma_wait3A_26 = arith.constant 0 : i32
        %dma_wait3A_27 = tpu.memref_slice %arg4[%dma_wait3A_25, %dma_wait3A_26] : memref<10000x128xf32, #tpu.memory_space<hbm>> -> memref<16x128xf32, #tpu.memory_space<hbm>>
        tpu.wait_dma2 semaphore(%run_scoped3A : memref<!tpu.dma_semaphore, #tpu.memory_space<semaphore_mem>>) src(%dma_wait3A_27 : memref<16x128xf32, #tpu.memory_space<hbm>>) dst(%dma_wait3A_24 : memref<16x128xf32, #tpu.memory_space<vmem_shared>>)
        tpu.yield
      }) : () -> ()
    } else {
    }
    "tpu.region"() ({
      %run_scoped3A = tpu.sem_alloc : memref<!tpu.dma_semaphore, #tpu.memory_space<semaphore_mem>>
      tpu.enqueue_dma source(%arg3 : memref<80x128xf32, #tpu.memory_space<hbm>>) target(%arg8 : memref<80x128xf32, #tpu.memory_space<vmem>>) target_semaphore(%run_scoped3A : memref<!tpu.dma_semaphore, #tpu.memory_space<semaphore_mem>>)
      tpu.wait_dma2 semaphore(%run_scoped3A : memref<!tpu.dma_semaphore, #tpu.memory_space<semaphore_mem>>) src(%arg3 : memref<80x128xf32, #tpu.memory_space<hbm>>) dst(%arg8 : memref<80x128xf32, #tpu.memory_space<vmem>>)
      tpu.yield
    }) : () -> ()
    "tpu.region"() ({
      %run_scoped3A = tpu.sem_alloc : memref<!tpu.dma_semaphore, #tpu.memory_space<semaphore_mem>>
      %dma_start3A = arith.constant 0 : i32
      %dma_start3A_18 = arith.constant 0 : i32
      %dma_start3A_19 = tpu.memref_slice %arg2[%add3A, %dma_start3A, %dma_start3A_18] : memref<32x125x80xi32, #tpu.memory_space<hbm>> -> memref<1x125x80xi32, #tpu.memory_space<hbm>>
      %dma_start3A_20 = tpu.memref_squeeze %dma_start3A_19 : memref<1x125x80xi32, #tpu.memory_space<hbm>> -> memref<125x80xi32, #tpu.memory_space<hbm>>
      %dma_start3A_21 = arith.constant 0 : i32
      %dma_start3A_22 = arith.constant 0 : i32
      %dma_start3A_23 = tpu.memref_slice %arg2[%add3A, %dma_start3A_21, %dma_start3A_22] : memref<32x125x80xi32, #tpu.memory_space<hbm>> -> memref<1x125x80xi32, #tpu.memory_space<hbm>>
      %dma_start3A_24 = tpu.memref_squeeze %dma_start3A_23 : memref<1x125x80xi32, #tpu.memory_space<hbm>> -> memref<125x80xi32, #tpu.memory_space<hbm>>
      tpu.enqueue_dma source(%dma_start3A_24 : memref<125x80xi32, #tpu.memory_space<hbm>>) target(%arg7 : memref<125x80xi32, #tpu.memory_space<vmem>>) target_semaphore(%run_scoped3A : memref<!tpu.dma_semaphore, #tpu.memory_space<semaphore_mem>>)
      %dma_wait3A = arith.constant 0 : i32
      %dma_wait3A_25 = arith.constant 0 : i32
      %dma_wait3A_26 = tpu.memref_slice %arg2[%add3A, %dma_wait3A, %dma_wait3A_25] : memref<32x125x80xi32, #tpu.memory_space<hbm>> -> memref<1x125x80xi32, #tpu.memory_space<hbm>>
      %dma_wait3A_27 = tpu.memref_squeeze %dma_wait3A_26 : memref<1x125x80xi32, #tpu.memory_space<hbm>> -> memref<125x80xi32, #tpu.memory_space<hbm>>
      %dma_wait3A_28 = arith.constant 0 : i32
      %dma_wait3A_29 = arith.constant 0 : i32
      %dma_wait3A_30 = tpu.memref_slice %arg2[%add3A, %dma_wait3A_28, %dma_wait3A_29] : memref<32x125x80xi32, #tpu.memory_space<hbm>> -> memref<1x125x80xi32, #tpu.memory_space<hbm>>
      %dma_wait3A_31 = tpu.memref_squeeze %dma_wait3A_30 : memref<1x125x80xi32, #tpu.memory_space<hbm>> -> memref<125x80xi32, #tpu.memory_space<hbm>>
      tpu.wait_dma2 semaphore(%run_scoped3A : memref<!tpu.dma_semaphore, #tpu.memory_space<semaphore_mem>>) src(%dma_wait3A_31 : memref<125x80xi32, #tpu.memory_space<hbm>>) dst(%arg7 : memref<125x80xi32, #tpu.memory_space<vmem>>)
      tpu.yield
    }) : () -> ()
    %barrier3A = arith.constant 0 : index
    tpu.barrier barrier_id(%barrier3A)
    %scan3A = arith.constant 0 : i32
    %scan3A_5 = arith.constant 0 : i32
    %scan3A_6 = arith.constant 125 : i32
    %scan3A_7 = arith.addi %scan3A_5, %scan3A_6 : i32
    %scan3A_8 = arith.constant 1 : i32
    scf.for %scan3A_18 = %scan3A_5 to %scan3A_7 step %scan3A_8  : i32 {
      "tpu.region"() ({
        %run_scoped3A = tpu.sem_alloc : memref<!tpu.dma_semaphore, #tpu.memory_space<semaphore_mem>>
        %dma_start3A = arith.constant 0 : i32
        %dma_start3A_19 = tpu.memref_slice %arg7[%scan3A_18, %dma_start3A] : memref<125x80xi32, #tpu.memory_space<vmem>> -> memref<1x80xi32, #tpu.memory_space<vmem>>
        %dma_start3A_20 = tpu.memref_squeeze %dma_start3A_19 : memref<1x80xi32, #tpu.memory_space<vmem>> -> memref<80xi32, #tpu.memory_space<vmem>>
        %dma_start3A_21 = arith.constant 0 : i32
        %dma_start3A_22 = arith.constant 0 : i32
        %dma_start3A_23 = tpu.memref_slice %arg6[%dma_start3A_21, %dma_start3A_22] : memref<10000x128xf32, #tpu.memory_space<vmem_shared>> -> memref<10000x128xf32, #tpu.memory_space<vmem_shared>>
        tpu.enqueue_indirect_dma source(%arg8 : memref<80x128xf32, #tpu.memory_space<vmem>>) target(%dma_start3A_23 : memref<10000x128xf32, #tpu.memory_space<vmem_shared>>) offsets(%dma_start3A_20 : memref<80xi32, #tpu.memory_space<vmem>>) semaphore(%run_scoped3A : memref<!tpu.dma_semaphore, #tpu.memory_space<semaphore_mem>>) {add = true}
        %dma_wait3A = arith.constant 0 : i32
        %dma_wait3A_24 = tpu.memref_slice %arg7[%scan3A_18, %dma_wait3A] : memref<125x80xi32, #tpu.memory_space<vmem>> -> memref<1x80xi32, #tpu.memory_space<vmem>>
        %dma_wait3A_25 = tpu.memref_squeeze %dma_wait3A_24 : memref<1x80xi32, #tpu.memory_space<vmem>> -> memref<80xi32, #tpu.memory_space<vmem>>
        %dma_wait3A_26 = arith.constant 0 : i32
        %dma_wait3A_27 = arith.constant 0 : i32
        %dma_wait3A_28 = tpu.memref_slice %arg6[%dma_wait3A_26, %dma_wait3A_27] : memref<10000x128xf32, #tpu.memory_space<vmem_shared>> -> memref<10000x128xf32, #tpu.memory_space<vmem_shared>>
        tpu.wait_indirect_dma semaphore(%run_scoped3A : memref<!tpu.dma_semaphore, #tpu.memory_space<semaphore_mem>>) src(%arg8 : memref<80x128xf32, #tpu.memory_space<vmem>>) dst(%dma_wait3A_28 : memref<10000x128xf32, #tpu.memory_space<vmem_shared>>)
        tpu.yield
      }) : () -> ()
    }
    %scan3A_9 = arith.constant 125 : i32
    %barrier3A_10 = arith.constant 0 : index
    tpu.barrier barrier_id(%barrier3A_10)
    %mul3A_11 = arith.constant 624 : i32
    %mul3A_12 = arith.muli %arg1, %mul3A_11 : i32
    "tpu.region"() ({
      %run_scoped3A = tpu.sem_alloc : memref<!tpu.dma_semaphore, #tpu.memory_space<semaphore_mem>>
      %dma_start3A = arith.constant 0 : i32
      %dma_start3A_18 = arith.constant 0 : i32
      %dma_start3A_19 = tpu.memref_slice %arg5[%arg0, %dma_start3A, %dma_start3A_18] : memref<2x10000x128xf32, #tpu.memory_space<hbm>> -> memref<1x10000x128xf32, #tpu.memory_space<hbm>>
      %dma_start3A_20 = tpu.memref_squeeze %dma_start3A_19 : memref<1x10000x128xf32, #tpu.memory_space<hbm>> -> memref<10000x128xf32, #tpu.memory_space<hbm>>
      %dma_start3A_21 = arith.constant 0 : i32
      %dma_start3A_22 = tpu.memref_slice %dma_start3A_20[%mul3A_12, %dma_start3A_21] : memref<10000x128xf32, #tpu.memory_space<hbm>> -> memref<624x128xf32, #tpu.memory_space<hbm>>
      %dma_start3A_23 = arith.constant 0 : i32
      %dma_start3A_24 = tpu.memref_slice %arg6[%mul3A_12, %dma_start3A_23] : memref<10000x128xf32, #tpu.memory_space<vmem_shared>> -> memref<624x128xf32, #tpu.memory_space<vmem_shared>>
      tpu.enqueue_dma source(%dma_start3A_24 : memref<624x128xf32, #tpu.memory_space<vmem_shared>>) target(%dma_start3A_22 : memref<624x128xf32, #tpu.memory_space<hbm>>) target_semaphore(%run_scoped3A : memref<!tpu.dma_semaphore, #tpu.memory_space<semaphore_mem>>)
      %dma_wait3A = arith.constant 0 : i32
      %dma_wait3A_25 = arith.constant 0 : i32
      %dma_wait3A_26 = tpu.memref_slice %arg5[%arg0, %dma_wait3A, %dma_wait3A_25] : memref<2x10000x128xf32, #tpu.memory_space<hbm>> -> memref<1x10000x128xf32, #tpu.memory_space<hbm>>
      %dma_wait3A_27 = tpu.memref_squeeze %dma_wait3A_26 : memref<1x10000x128xf32, #tpu.memory_space<hbm>> -> memref<10000x128xf32, #tpu.memory_space<hbm>>
      %dma_wait3A_28 = arith.constant 0 : i32
      %dma_wait3A_29 = tpu.memref_slice %dma_wait3A_27[%mul3A_12, %dma_wait3A_28] : memref<10000x128xf32, #tpu.memory_space<hbm>> -> memref<624x128xf32, #tpu.memory_space<hbm>>
      %dma_wait3A_30 = arith.constant 0 : i32
      %dma_wait3A_31 = tpu.memref_slice %arg6[%mul3A_12, %dma_wait3A_30] : memref<10000x128xf32, #tpu.memory_space<vmem_shared>> -> memref<624x128xf32, #tpu.memory_space<vmem_shared>>
      tpu.wait_dma2 semaphore(%run_scoped3A : memref<!tpu.dma_semaphore, #tpu.memory_space<semaphore_mem>>) src(%dma_wait3A_31 : memref<624x128xf32, #tpu.memory_space<vmem_shared>>) dst(%dma_wait3A_29 : memref<624x128xf32, #tpu.memory_space<hbm>>)
      tpu.yield
    }) : () -> ()
    %eq3A_13 = arith.constant 15 : i32
    %eq3A_14 = arith.cmpi eq, %arg1, %eq3A_13 : i32
    %convert_element_type3A_15 = arith.extui %eq3A_14 : i1 to i32
    %cond3A_16 = arith.constant 0 : i32
    %cond3A_17 = arith.cmpi ne, %convert_element_type3A_15, %cond3A_16 : i32
    scf.if %cond3A_17 {
      "tpu.region"() ({
        %run_scoped3A = tpu.sem_alloc : memref<!tpu.dma_semaphore, #tpu.memory_space<semaphore_mem>>
        %dma_start3A = arith.constant 0 : i32
        %dma_start3A_18 = arith.constant 0 : i32
        %dma_start3A_19 = tpu.memref_slice %arg5[%arg0, %dma_start3A, %dma_start3A_18] : memref<2x10000x128xf32, #tpu.memory_space<hbm>> -> memref<1x10000x128xf32, #tpu.memory_space<hbm>>
        %dma_start3A_20 = tpu.memref_squeeze %dma_start3A_19 : memref<1x10000x128xf32, #tpu.memory_space<hbm>> -> memref<10000x128xf32, #tpu.memory_space<hbm>>
        %dma_start3A_21 = arith.constant 9984 : i32
        %dma_start3A_22 = arith.constant 0 : i32
        %dma_start3A_23 = tpu.memref_slice %dma_start3A_20[%dma_start3A_21, %dma_start3A_22] : memref<10000x128xf32, #tpu.memory_space<hbm>> -> memref<16x128xf32, #tpu.memory_space<hbm>>
        %dma_start3A_24 = arith.constant 9984 : i32
        %dma_start3A_25 = arith.constant 0 : i32
        %dma_start3A_26 = tpu.memref_slice %arg6[%dma_start3A_24, %dma_start3A_25] : memref<10000x128xf32, #tpu.memory_space<vmem_shared>> -> memref<16x128xf32, #tpu.memory_space<vmem_shared>>
        tpu.enqueue_dma source(%dma_start3A_26 : memref<16x128xf32, #tpu.memory_space<vmem_shared>>) target(%dma_start3A_23 : memref<16x128xf32, #tpu.memory_space<hbm>>) target_semaphore(%run_scoped3A : memref<!tpu.dma_semaphore, #tpu.memory_space<semaphore_mem>>)
        %dma_wait3A = arith.constant 0 : i32
        %dma_wait3A_27 = arith.constant 0 : i32
        %dma_wait3A_28 = tpu.memref_slice %arg5[%arg0, %dma_wait3A, %dma_wait3A_27] : memref<2x10000x128xf32, #tpu.memory_space<hbm>> -> memref<1x10000x128xf32, #tpu.memory_space<hbm>>
        %dma_wait3A_29 = tpu.memref_squeeze %dma_wait3A_28 : memref<1x10000x128xf32, #tpu.memory_space<hbm>> -> memref<10000x128xf32, #tpu.memory_space<hbm>>
        %dma_wait3A_30 = arith.constant 9984 : i32
        %dma_wait3A_31 = arith.constant 0 : i32
        %dma_wait3A_32 = tpu.memref_slice %dma_wait3A_29[%dma_wait3A_30, %dma_wait3A_31] : memref<10000x128xf32, #tpu.memory_space<hbm>> -> memref<16x128xf32, #tpu.memory_space<hbm>>
        %dma_wait3A_33 = arith.constant 9984 : i32
        %dma_wait3A_34 = arith.constant 0 : i32
        %dma_wait3A_35 = tpu.memref_slice %arg6[%dma_wait3A_33, %dma_wait3A_34] : memref<10000x128xf32, #tpu.memory_space<vmem_shared>> -> memref<16x128xf32, #tpu.memory_space<vmem_shared>>
        tpu.wait_dma2 semaphore(%run_scoped3A : memref<!tpu.dma_semaphore, #tpu.memory_space<semaphore_mem>>) src(%dma_wait3A_35 : memref<16x128xf32, #tpu.memory_space<vmem_shared>>) dst(%dma_wait3A_32 : memref<16x128xf32, #tpu.memory_space<hbm>>)
        tpu.yield
      }) : () -> ()
    } else {
    }
    return
  }
}

#map = affine_map<(d0, d1) -> (0, 0, 0)>
#map1 = affine_map<(d0, d1) -> (0, 0)>
module attributes {stable_mosaic.version = 14 : i64} {
  func.func @_agg_body(%arg0: i32, %arg1: i32, %arg2: memref<32x125x80xi32, #tpu.memory_space<hbm>>, %arg3: memref<32x125x80xi32, #tpu.memory_space<hbm>>, %arg4: memref<10000x128xf32, #tpu.memory_space<hbm>>, %arg5: memref<10000x128xf32, #tpu.memory_space<hbm>>, %arg6: memref<2x10000x128xf32, #tpu.memory_space<hbm>>, %arg7: memref<10000x128xf32, #tpu.memory_space<vmem_shared>>, %arg8: memref<125x80xi32, #tpu.memory_space<vmem>>, %arg9: memref<125x80xi32, #tpu.memory_space<vmem>>, %arg10: memref<80x128xf32, #tpu.memory_space<vmem>>, %arg11: memref<!tpu.dma_semaphore, #tpu.memory_space<semaphore_mem>>) attributes {dimension_semantics = [#tpu.dimension_semantics<core_parallel>, #tpu.dimension_semantics<subcore_parallel>], iteration_bounds = array<i64: 2, 16>, scalar_prefetch = 0 : i64, scratch_operands = 5 : i64, tpu.core_type = #tpu.core_type<sc_vector_subcore>, window_params = [{transform_indices = #map}, {transform_indices = #map}, {transform_indices = #map1}, {transform_indices = #map1}, {transform_indices = #map}]} {
    %mul3A = arith.constant 2 : i32
    %mul3A_0 = arith.muli %arg1, %mul3A : i32
    %add3A = arith.addi %mul3A_0, %arg0 : i32
    %eq3A = arith.constant 0 : i32
    %eq3A_1 = arith.cmpi eq, %arg0, %eq3A : i32
    %convert_element_type3A = arith.extui %eq3A_1 : i1 to i32
    %cond3A = arith.constant 0 : i32
    %cond3A_2 = arith.cmpi ne, %convert_element_type3A, %cond3A : i32
    scf.if %cond3A_2 {
      %mul3A_20 = arith.constant 624 : i32
      %mul3A_21 = arith.muli %arg1, %mul3A_20 : i32
      "tpu.region"() ({
        %run_scoped3A = tpu.sem_alloc : memref<!tpu.dma_semaphore, #tpu.memory_space<semaphore_mem>>
        %dma_start3A = arith.constant 0 : i32
        %dma_start3A_27 = tpu.memref_slice %arg7[%mul3A_21, %dma_start3A] : memref<10000x128xf32, #tpu.memory_space<vmem_shared>> -> memref<624x128xf32, #tpu.memory_space<vmem_shared>>
        %dma_start3A_28 = arith.constant 0 : i32
        %dma_start3A_29 = tpu.memref_slice %arg4[%mul3A_21, %dma_start3A_28] : memref<10000x128xf32, #tpu.memory_space<hbm>> -> memref<624x128xf32, #tpu.memory_space<hbm>>
        tpu.enqueue_dma source(%dma_start3A_29 : memref<624x128xf32, #tpu.memory_space<hbm>>) target(%dma_start3A_27 : memref<624x128xf32, #tpu.memory_space<vmem_shared>>) target_semaphore(%run_scoped3A : memref<!tpu.dma_semaphore, #tpu.memory_space<semaphore_mem>>)
        %dma_wait3A = arith.constant 0 : i32
        %dma_wait3A_30 = tpu.memref_slice %arg7[%mul3A_21, %dma_wait3A] : memref<10000x128xf32, #tpu.memory_space<vmem_shared>> -> memref<624x128xf32, #tpu.memory_space<vmem_shared>>
        %dma_wait3A_31 = arith.constant 0 : i32
        %dma_wait3A_32 = tpu.memref_slice %arg4[%mul3A_21, %dma_wait3A_31] : memref<10000x128xf32, #tpu.memory_space<hbm>> -> memref<624x128xf32, #tpu.memory_space<hbm>>
        tpu.wait_dma2 semaphore(%run_scoped3A : memref<!tpu.dma_semaphore, #tpu.memory_space<semaphore_mem>>) src(%dma_wait3A_32 : memref<624x128xf32, #tpu.memory_space<hbm>>) dst(%dma_wait3A_30 : memref<624x128xf32, #tpu.memory_space<vmem_shared>>)
        tpu.yield
      }) : () -> ()
      %eq3A_22 = arith.constant 15 : i32
      %eq3A_23 = arith.cmpi eq, %arg1, %eq3A_22 : i32
      %convert_element_type3A_24 = arith.extui %eq3A_23 : i1 to i32
      %cond3A_25 = arith.constant 0 : i32
      %cond3A_26 = arith.cmpi ne, %convert_element_type3A_24, %cond3A_25 : i32
      scf.if %cond3A_26 {
        "tpu.region"() ({
          %run_scoped3A = tpu.sem_alloc : memref<!tpu.dma_semaphore, #tpu.memory_space<semaphore_mem>>
          %dma_start3A = arith.constant 9984 : i32
          %dma_start3A_27 = arith.constant 0 : i32
          %dma_start3A_28 = tpu.memref_slice %arg7[%dma_start3A, %dma_start3A_27] : memref<10000x128xf32, #tpu.memory_space<vmem_shared>> -> memref<16x128xf32, #tpu.memory_space<vmem_shared>>
          %dma_start3A_29 = arith.constant 9984 : i32
          %dma_start3A_30 = arith.constant 0 : i32
          %dma_start3A_31 = tpu.memref_slice %arg4[%dma_start3A_29, %dma_start3A_30] : memref<10000x128xf32, #tpu.memory_space<hbm>> -> memref<16x128xf32, #tpu.memory_space<hbm>>
          tpu.enqueue_dma source(%dma_start3A_31 : memref<16x128xf32, #tpu.memory_space<hbm>>) target(%dma_start3A_28 : memref<16x128xf32, #tpu.memory_space<vmem_shared>>) target_semaphore(%run_scoped3A : memref<!tpu.dma_semaphore, #tpu.memory_space<semaphore_mem>>)
          %dma_wait3A = arith.constant 9984 : i32
          %dma_wait3A_32 = arith.constant 0 : i32
          %dma_wait3A_33 = tpu.memref_slice %arg7[%dma_wait3A, %dma_wait3A_32] : memref<10000x128xf32, #tpu.memory_space<vmem_shared>> -> memref<16x128xf32, #tpu.memory_space<vmem_shared>>
          %dma_wait3A_34 = arith.constant 9984 : i32
          %dma_wait3A_35 = arith.constant 0 : i32
          %dma_wait3A_36 = tpu.memref_slice %arg4[%dma_wait3A_34, %dma_wait3A_35] : memref<10000x128xf32, #tpu.memory_space<hbm>> -> memref<16x128xf32, #tpu.memory_space<hbm>>
          tpu.wait_dma2 semaphore(%run_scoped3A : memref<!tpu.dma_semaphore, #tpu.memory_space<semaphore_mem>>) src(%dma_wait3A_36 : memref<16x128xf32, #tpu.memory_space<hbm>>) dst(%dma_wait3A_33 : memref<16x128xf32, #tpu.memory_space<vmem_shared>>)
          tpu.yield
        }) : () -> ()
      } else {
      }
    } else {
    }
    %ne3A = arith.constant 0 : i32
    %ne3A_3 = arith.cmpi ne, %arg0, %ne3A : i32
    %convert_element_type3A_4 = arith.extui %ne3A_3 : i1 to i32
    %cond3A_5 = arith.constant 0 : i32
    %cond3A_6 = arith.cmpi ne, %convert_element_type3A_4, %cond3A_5 : i32
    scf.if %cond3A_6 {
      %mul3A_20 = arith.constant 624 : i32
      %mul3A_21 = arith.muli %arg1, %mul3A_20 : i32
      "tpu.region"() ({
        %run_scoped3A = tpu.sem_alloc : memref<!tpu.dma_semaphore, #tpu.memory_space<semaphore_mem>>
        %dma_start3A = arith.constant 0 : i32
        %dma_start3A_27 = tpu.memref_slice %arg7[%mul3A_21, %dma_start3A] : memref<10000x128xf32, #tpu.memory_space<vmem_shared>> -> memref<624x128xf32, #tpu.memory_space<vmem_shared>>
        %dma_start3A_28 = arith.constant 0 : i32
        %dma_start3A_29 = tpu.memref_slice %arg5[%mul3A_21, %dma_start3A_28] : memref<10000x128xf32, #tpu.memory_space<hbm>> -> memref<624x128xf32, #tpu.memory_space<hbm>>
        tpu.enqueue_dma source(%dma_start3A_29 : memref<624x128xf32, #tpu.memory_space<hbm>>) target(%dma_start3A_27 : memref<624x128xf32, #tpu.memory_space<vmem_shared>>) target_semaphore(%run_scoped3A : memref<!tpu.dma_semaphore, #tpu.memory_space<semaphore_mem>>)
        %dma_wait3A = arith.constant 0 : i32
        %dma_wait3A_30 = tpu.memref_slice %arg7[%mul3A_21, %dma_wait3A] : memref<10000x128xf32, #tpu.memory_space<vmem_shared>> -> memref<624x128xf32, #tpu.memory_space<vmem_shared>>
        %dma_wait3A_31 = arith.constant 0 : i32
        %dma_wait3A_32 = tpu.memref_slice %arg5[%mul3A_21, %dma_wait3A_31] : memref<10000x128xf32, #tpu.memory_space<hbm>> -> memref<624x128xf32, #tpu.memory_space<hbm>>
        tpu.wait_dma2 semaphore(%run_scoped3A : memref<!tpu.dma_semaphore, #tpu.memory_space<semaphore_mem>>) src(%dma_wait3A_32 : memref<624x128xf32, #tpu.memory_space<hbm>>) dst(%dma_wait3A_30 : memref<624x128xf32, #tpu.memory_space<vmem_shared>>)
        tpu.yield
      }) : () -> ()
      %eq3A_22 = arith.constant 15 : i32
      %eq3A_23 = arith.cmpi eq, %arg1, %eq3A_22 : i32
      %convert_element_type3A_24 = arith.extui %eq3A_23 : i1 to i32
      %cond3A_25 = arith.constant 0 : i32
      %cond3A_26 = arith.cmpi ne, %convert_element_type3A_24, %cond3A_25 : i32
      scf.if %cond3A_26 {
        "tpu.region"() ({
          %run_scoped3A = tpu.sem_alloc : memref<!tpu.dma_semaphore, #tpu.memory_space<semaphore_mem>>
          %dma_start3A = arith.constant 9984 : i32
          %dma_start3A_27 = arith.constant 0 : i32
          %dma_start3A_28 = tpu.memref_slice %arg7[%dma_start3A, %dma_start3A_27] : memref<10000x128xf32, #tpu.memory_space<vmem_shared>> -> memref<16x128xf32, #tpu.memory_space<vmem_shared>>
          %dma_start3A_29 = arith.constant 9984 : i32
          %dma_start3A_30 = arith.constant 0 : i32
          %dma_start3A_31 = tpu.memref_slice %arg5[%dma_start3A_29, %dma_start3A_30] : memref<10000x128xf32, #tpu.memory_space<hbm>> -> memref<16x128xf32, #tpu.memory_space<hbm>>
          tpu.enqueue_dma source(%dma_start3A_31 : memref<16x128xf32, #tpu.memory_space<hbm>>) target(%dma_start3A_28 : memref<16x128xf32, #tpu.memory_space<vmem_shared>>) target_semaphore(%run_scoped3A : memref<!tpu.dma_semaphore, #tpu.memory_space<semaphore_mem>>)
          %dma_wait3A = arith.constant 9984 : i32
          %dma_wait3A_32 = arith.constant 0 : i32
          %dma_wait3A_33 = tpu.memref_slice %arg7[%dma_wait3A, %dma_wait3A_32] : memref<10000x128xf32, #tpu.memory_space<vmem_shared>> -> memref<16x128xf32, #tpu.memory_space<vmem_shared>>
          %dma_wait3A_34 = arith.constant 9984 : i32
          %dma_wait3A_35 = arith.constant 0 : i32
          %dma_wait3A_36 = tpu.memref_slice %arg5[%dma_wait3A_34, %dma_wait3A_35] : memref<10000x128xf32, #tpu.memory_space<hbm>> -> memref<16x128xf32, #tpu.memory_space<hbm>>
          tpu.wait_dma2 semaphore(%run_scoped3A : memref<!tpu.dma_semaphore, #tpu.memory_space<semaphore_mem>>) src(%dma_wait3A_36 : memref<16x128xf32, #tpu.memory_space<hbm>>) dst(%dma_wait3A_33 : memref<16x128xf32, #tpu.memory_space<vmem_shared>>)
          tpu.yield
        }) : () -> ()
      } else {
      }
    } else {
    }
    "tpu.region"() ({
      %run_scoped3A = tpu.sem_alloc : memref<!tpu.dma_semaphore, #tpu.memory_space<semaphore_mem>>
      %dma_start3A = arith.constant 0 : i32
      %dma_start3A_20 = arith.constant 0 : i32
      %dma_start3A_21 = tpu.memref_slice %arg2[%add3A, %dma_start3A, %dma_start3A_20] : memref<32x125x80xi32, #tpu.memory_space<hbm>> -> memref<1x125x80xi32, #tpu.memory_space<hbm>>
      %dma_start3A_22 = tpu.memref_squeeze %dma_start3A_21 : memref<1x125x80xi32, #tpu.memory_space<hbm>> -> memref<125x80xi32, #tpu.memory_space<hbm>>
      %dma_start3A_23 = arith.constant 0 : i32
      %dma_start3A_24 = arith.constant 0 : i32
      %dma_start3A_25 = tpu.memref_slice %arg2[%add3A, %dma_start3A_23, %dma_start3A_24] : memref<32x125x80xi32, #tpu.memory_space<hbm>> -> memref<1x125x80xi32, #tpu.memory_space<hbm>>
      %dma_start3A_26 = tpu.memref_squeeze %dma_start3A_25 : memref<1x125x80xi32, #tpu.memory_space<hbm>> -> memref<125x80xi32, #tpu.memory_space<hbm>>
      tpu.enqueue_dma source(%dma_start3A_26 : memref<125x80xi32, #tpu.memory_space<hbm>>) target(%arg8 : memref<125x80xi32, #tpu.memory_space<vmem>>) target_semaphore(%run_scoped3A : memref<!tpu.dma_semaphore, #tpu.memory_space<semaphore_mem>>)
      %dma_wait3A = arith.constant 0 : i32
      %dma_wait3A_27 = arith.constant 0 : i32
      %dma_wait3A_28 = tpu.memref_slice %arg2[%add3A, %dma_wait3A, %dma_wait3A_27] : memref<32x125x80xi32, #tpu.memory_space<hbm>> -> memref<1x125x80xi32, #tpu.memory_space<hbm>>
      %dma_wait3A_29 = tpu.memref_squeeze %dma_wait3A_28 : memref<1x125x80xi32, #tpu.memory_space<hbm>> -> memref<125x80xi32, #tpu.memory_space<hbm>>
      %dma_wait3A_30 = arith.constant 0 : i32
      %dma_wait3A_31 = arith.constant 0 : i32
      %dma_wait3A_32 = tpu.memref_slice %arg2[%add3A, %dma_wait3A_30, %dma_wait3A_31] : memref<32x125x80xi32, #tpu.memory_space<hbm>> -> memref<1x125x80xi32, #tpu.memory_space<hbm>>
      %dma_wait3A_33 = tpu.memref_squeeze %dma_wait3A_32 : memref<1x125x80xi32, #tpu.memory_space<hbm>> -> memref<125x80xi32, #tpu.memory_space<hbm>>
      tpu.wait_dma2 semaphore(%run_scoped3A : memref<!tpu.dma_semaphore, #tpu.memory_space<semaphore_mem>>) src(%dma_wait3A_33 : memref<125x80xi32, #tpu.memory_space<hbm>>) dst(%arg8 : memref<125x80xi32, #tpu.memory_space<vmem>>)
      tpu.yield
    }) : () -> ()
    "tpu.region"() ({
      %run_scoped3A = tpu.sem_alloc : memref<!tpu.dma_semaphore, #tpu.memory_space<semaphore_mem>>
      %dma_start3A = arith.constant 0 : i32
      %dma_start3A_20 = arith.constant 0 : i32
      %dma_start3A_21 = tpu.memref_slice %arg3[%add3A, %dma_start3A, %dma_start3A_20] : memref<32x125x80xi32, #tpu.memory_space<hbm>> -> memref<1x125x80xi32, #tpu.memory_space<hbm>>
      %dma_start3A_22 = tpu.memref_squeeze %dma_start3A_21 : memref<1x125x80xi32, #tpu.memory_space<hbm>> -> memref<125x80xi32, #tpu.memory_space<hbm>>
      %dma_start3A_23 = arith.constant 0 : i32
      %dma_start3A_24 = arith.constant 0 : i32
      %dma_start3A_25 = tpu.memref_slice %arg3[%add3A, %dma_start3A_23, %dma_start3A_24] : memref<32x125x80xi32, #tpu.memory_space<hbm>> -> memref<1x125x80xi32, #tpu.memory_space<hbm>>
      %dma_start3A_26 = tpu.memref_squeeze %dma_start3A_25 : memref<1x125x80xi32, #tpu.memory_space<hbm>> -> memref<125x80xi32, #tpu.memory_space<hbm>>
      tpu.enqueue_dma source(%dma_start3A_26 : memref<125x80xi32, #tpu.memory_space<hbm>>) target(%arg9 : memref<125x80xi32, #tpu.memory_space<vmem>>) target_semaphore(%run_scoped3A : memref<!tpu.dma_semaphore, #tpu.memory_space<semaphore_mem>>)
      %dma_wait3A = arith.constant 0 : i32
      %dma_wait3A_27 = arith.constant 0 : i32
      %dma_wait3A_28 = tpu.memref_slice %arg3[%add3A, %dma_wait3A, %dma_wait3A_27] : memref<32x125x80xi32, #tpu.memory_space<hbm>> -> memref<1x125x80xi32, #tpu.memory_space<hbm>>
      %dma_wait3A_29 = tpu.memref_squeeze %dma_wait3A_28 : memref<1x125x80xi32, #tpu.memory_space<hbm>> -> memref<125x80xi32, #tpu.memory_space<hbm>>
      %dma_wait3A_30 = arith.constant 0 : i32
      %dma_wait3A_31 = arith.constant 0 : i32
      %dma_wait3A_32 = tpu.memref_slice %arg3[%add3A, %dma_wait3A_30, %dma_wait3A_31] : memref<32x125x80xi32, #tpu.memory_space<hbm>> -> memref<1x125x80xi32, #tpu.memory_space<hbm>>
      %dma_wait3A_33 = tpu.memref_squeeze %dma_wait3A_32 : memref<1x125x80xi32, #tpu.memory_space<hbm>> -> memref<125x80xi32, #tpu.memory_space<hbm>>
      tpu.wait_dma2 semaphore(%run_scoped3A : memref<!tpu.dma_semaphore, #tpu.memory_space<semaphore_mem>>) src(%dma_wait3A_33 : memref<125x80xi32, #tpu.memory_space<hbm>>) dst(%arg9 : memref<125x80xi32, #tpu.memory_space<vmem>>)
      tpu.yield
    }) : () -> ()
    %barrier3A = arith.constant 0 : index
    tpu.barrier barrier_id(%barrier3A)
    %scan3A = arith.constant 0 : i32
    %scan3A_7 = arith.constant 0 : i32
    %scan3A_8 = arith.constant 125 : i32
    %scan3A_9 = arith.addi %scan3A_7, %scan3A_8 : i32
    %scan3A_10 = arith.constant 1 : i32
    scf.for %scan3A_20 = %scan3A_7 to %scan3A_9 step %scan3A_10  : i32 {
      %dma_start3A = arith.constant 0 : i32
      %dma_start3A_21 = tpu.memref_slice %arg8[%scan3A_20, %dma_start3A] : memref<125x80xi32, #tpu.memory_space<vmem>> -> memref<1x80xi32, #tpu.memory_space<vmem>>
      %dma_start3A_22 = tpu.memref_squeeze %dma_start3A_21 : memref<1x80xi32, #tpu.memory_space<vmem>> -> memref<80xi32, #tpu.memory_space<vmem>>
      %dma_start3A_23 = arith.constant 0 : i32
      %dma_start3A_24 = arith.constant 0 : i32
      %dma_start3A_25 = tpu.memref_slice %arg4[%dma_start3A_23, %dma_start3A_24] : memref<10000x128xf32, #tpu.memory_space<hbm>> -> memref<10000x128xf32, #tpu.memory_space<hbm>>
      tpu.enqueue_indirect_dma source(%dma_start3A_25 : memref<10000x128xf32, #tpu.memory_space<hbm>>) target(%arg10 : memref<80x128xf32, #tpu.memory_space<vmem>>) offsets(%dma_start3A_22 : memref<80xi32, #tpu.memory_space<vmem>>) semaphore(%arg11 : memref<!tpu.dma_semaphore, #tpu.memory_space<semaphore_mem>>)
      %dma_wait3A = arith.constant 0 : i32
      %dma_wait3A_26 = tpu.memref_slice %arg8[%scan3A_20, %dma_wait3A] : memref<125x80xi32, #tpu.memory_space<vmem>> -> memref<1x80xi32, #tpu.memory_space<vmem>>
      %dma_wait3A_27 = tpu.memref_squeeze %dma_wait3A_26 : memref<1x80xi32, #tpu.memory_space<vmem>> -> memref<80xi32, #tpu.memory_space<vmem>>
      %dma_wait3A_28 = arith.constant 0 : i32
      %dma_wait3A_29 = arith.constant 0 : i32
      %dma_wait3A_30 = tpu.memref_slice %arg4[%dma_wait3A_28, %dma_wait3A_29] : memref<10000x128xf32, #tpu.memory_space<hbm>> -> memref<10000x128xf32, #tpu.memory_space<hbm>>
      tpu.wait_indirect_dma semaphore(%arg11 : memref<!tpu.dma_semaphore, #tpu.memory_space<semaphore_mem>>) src(%dma_wait3A_30 : memref<10000x128xf32, #tpu.memory_space<hbm>>) dst(%arg10 : memref<80x128xf32, #tpu.memory_space<vmem>>)
      "tpu.region"() ({
        %run_scoped3A = tpu.sem_alloc : memref<!tpu.dma_semaphore, #tpu.memory_space<semaphore_mem>>
        %dma_start3A_31 = arith.constant 0 : i32
        %dma_start3A_32 = tpu.memref_slice %arg9[%scan3A_20, %dma_start3A_31] : memref<125x80xi32, #tpu.memory_space<vmem>> -> memref<1x80xi32, #tpu.memory_space<vmem>>
        %dma_start3A_33 = tpu.memref_squeeze %dma_start3A_32 : memref<1x80xi32, #tpu.memory_space<vmem>> -> memref<80xi32, #tpu.memory_space<vmem>>
        %dma_start3A_34 = arith.constant 0 : i32
        %dma_start3A_35 = arith.constant 0 : i32
        %dma_start3A_36 = tpu.memref_slice %arg7[%dma_start3A_34, %dma_start3A_35] : memref<10000x128xf32, #tpu.memory_space<vmem_shared>> -> memref<10000x128xf32, #tpu.memory_space<vmem_shared>>
        tpu.enqueue_indirect_dma source(%arg10 : memref<80x128xf32, #tpu.memory_space<vmem>>) target(%dma_start3A_36 : memref<10000x128xf32, #tpu.memory_space<vmem_shared>>) offsets(%dma_start3A_33 : memref<80xi32, #tpu.memory_space<vmem>>) semaphore(%run_scoped3A : memref<!tpu.dma_semaphore, #tpu.memory_space<semaphore_mem>>) {add = true}
        %dma_wait3A_37 = arith.constant 0 : i32
        %dma_wait3A_38 = tpu.memref_slice %arg9[%scan3A_20, %dma_wait3A_37] : memref<125x80xi32, #tpu.memory_space<vmem>> -> memref<1x80xi32, #tpu.memory_space<vmem>>
        %dma_wait3A_39 = tpu.memref_squeeze %dma_wait3A_38 : memref<1x80xi32, #tpu.memory_space<vmem>> -> memref<80xi32, #tpu.memory_space<vmem>>
        %dma_wait3A_40 = arith.constant 0 : i32
        %dma_wait3A_41 = arith.constant 0 : i32
        %dma_wait3A_42 = tpu.memref_slice %arg7[%dma_wait3A_40, %dma_wait3A_41] : memref<10000x128xf32, #tpu.memory_space<vmem_shared>> -> memref<10000x128xf32, #tpu.memory_space<vmem_shared>>
        tpu.wait_indirect_dma semaphore(%run_scoped3A : memref<!tpu.dma_semaphore, #tpu.memory_space<semaphore_mem>>) src(%arg10 : memref<80x128xf32, #tpu.memory_space<vmem>>) dst(%dma_wait3A_42 : memref<10000x128xf32, #tpu.memory_space<vmem_shared>>)
        tpu.yield
      }) : () -> ()
    }
    %scan3A_11 = arith.constant 125 : i32
    %barrier3A_12 = arith.constant 0 : index
    tpu.barrier barrier_id(%barrier3A_12)
    %mul3A_13 = arith.constant 624 : i32
    %mul3A_14 = arith.muli %arg1, %mul3A_13 : i32
    "tpu.region"() ({
      %run_scoped3A = tpu.sem_alloc : memref<!tpu.dma_semaphore, #tpu.memory_space<semaphore_mem>>
      %dma_start3A = arith.constant 0 : i32
      %dma_start3A_20 = arith.constant 0 : i32
      %dma_start3A_21 = tpu.memref_slice %arg6[%arg0, %dma_start3A, %dma_start3A_20] : memref<2x10000x128xf32, #tpu.memory_space<hbm>> -> memref<1x10000x128xf32, #tpu.memory_space<hbm>>
      %dma_start3A_22 = tpu.memref_squeeze %dma_start3A_21 : memref<1x10000x128xf32, #tpu.memory_space<hbm>> -> memref<10000x128xf32, #tpu.memory_space<hbm>>
      %dma_start3A_23 = arith.constant 0 : i32
      %dma_start3A_24 = tpu.memref_slice %dma_start3A_22[%mul3A_14, %dma_start3A_23] : memref<10000x128xf32, #tpu.memory_space<hbm>> -> memref<624x128xf32, #tpu.memory_space<hbm>>
      %dma_start3A_25 = arith.constant 0 : i32
      %dma_start3A_26 = tpu.memref_slice %arg7[%mul3A_14, %dma_start3A_25] : memref<10000x128xf32, #tpu.memory_space<vmem_shared>> -> memref<624x128xf32, #tpu.memory_space<vmem_shared>>
      tpu.enqueue_dma source(%dma_start3A_26 : memref<624x128xf32, #tpu.memory_space<vmem_shared>>) target(%dma_start3A_24 : memref<624x128xf32, #tpu.memory_space<hbm>>) target_semaphore(%run_scoped3A : memref<!tpu.dma_semaphore, #tpu.memory_space<semaphore_mem>>)
      %dma_wait3A = arith.constant 0 : i32
      %dma_wait3A_27 = arith.constant 0 : i32
      %dma_wait3A_28 = tpu.memref_slice %arg6[%arg0, %dma_wait3A, %dma_wait3A_27] : memref<2x10000x128xf32, #tpu.memory_space<hbm>> -> memref<1x10000x128xf32, #tpu.memory_space<hbm>>
      %dma_wait3A_29 = tpu.memref_squeeze %dma_wait3A_28 : memref<1x10000x128xf32, #tpu.memory_space<hbm>> -> memref<10000x128xf32, #tpu.memory_space<hbm>>
      %dma_wait3A_30 = arith.constant 0 : i32
      %dma_wait3A_31 = tpu.memref_slice %dma_wait3A_29[%mul3A_14, %dma_wait3A_30] : memref<10000x128xf32, #tpu.memory_space<hbm>> -> memref<624x128xf32, #tpu.memory_space<hbm>>
      %dma_wait3A_32 = arith.constant 0 : i32
      %dma_wait3A_33 = tpu.memref_slice %arg7[%mul3A_14, %dma_wait3A_32] : memref<10000x128xf32, #tpu.memory_space<vmem_shared>> -> memref<624x128xf32, #tpu.memory_space<vmem_shared>>
      tpu.wait_dma2 semaphore(%run_scoped3A : memref<!tpu.dma_semaphore, #tpu.memory_space<semaphore_mem>>) src(%dma_wait3A_33 : memref<624x128xf32, #tpu.memory_space<vmem_shared>>) dst(%dma_wait3A_31 : memref<624x128xf32, #tpu.memory_space<hbm>>)
      tpu.yield
    }) : () -> ()
    %eq3A_15 = arith.constant 15 : i32
    %eq3A_16 = arith.cmpi eq, %arg1, %eq3A_15 : i32
    %convert_element_type3A_17 = arith.extui %eq3A_16 : i1 to i32
    %cond3A_18 = arith.constant 0 : i32
    %cond3A_19 = arith.cmpi ne, %convert_element_type3A_17, %cond3A_18 : i32
    scf.if %cond3A_19 {
      "tpu.region"() ({
        %run_scoped3A = tpu.sem_alloc : memref<!tpu.dma_semaphore, #tpu.memory_space<semaphore_mem>>
        %dma_start3A = arith.constant 0 : i32
        %dma_start3A_20 = arith.constant 0 : i32
        %dma_start3A_21 = tpu.memref_slice %arg6[%arg0, %dma_start3A, %dma_start3A_20] : memref<2x10000x128xf32, #tpu.memory_space<hbm>> -> memref<1x10000x128xf32, #tpu.memory_space<hbm>>
        %dma_start3A_22 = tpu.memref_squeeze %dma_start3A_21 : memref<1x10000x128xf32, #tpu.memory_space<hbm>> -> memref<10000x128xf32, #tpu.memory_space<hbm>>
        %dma_start3A_23 = arith.constant 9984 : i32
        %dma_start3A_24 = arith.constant 0 : i32
        %dma_start3A_25 = tpu.memref_slice %dma_start3A_22[%dma_start3A_23, %dma_start3A_24] : memref<10000x128xf32, #tpu.memory_space<hbm>> -> memref<16x128xf32, #tpu.memory_space<hbm>>
        %dma_start3A_26 = arith.constant 9984 : i32
        %dma_start3A_27 = arith.constant 0 : i32
        %dma_start3A_28 = tpu.memref_slice %arg7[%dma_start3A_26, %dma_start3A_27] : memref<10000x128xf32, #tpu.memory_space<vmem_shared>> -> memref<16x128xf32, #tpu.memory_space<vmem_shared>>
        tpu.enqueue_dma source(%dma_start3A_28 : memref<16x128xf32, #tpu.memory_space<vmem_shared>>) target(%dma_start3A_25 : memref<16x128xf32, #tpu.memory_space<hbm>>) target_semaphore(%run_scoped3A : memref<!tpu.dma_semaphore, #tpu.memory_space<semaphore_mem>>)
        %dma_wait3A = arith.constant 0 : i32
        %dma_wait3A_29 = arith.constant 0 : i32
        %dma_wait3A_30 = tpu.memref_slice %arg6[%arg0, %dma_wait3A, %dma_wait3A_29] : memref<2x10000x128xf32, #tpu.memory_space<hbm>> -> memref<1x10000x128xf32, #tpu.memory_space<hbm>>
        %dma_wait3A_31 = tpu.memref_squeeze %dma_wait3A_30 : memref<1x10000x128xf32, #tpu.memory_space<hbm>> -> memref<10000x128xf32, #tpu.memory_space<hbm>>
        %dma_wait3A_32 = arith.constant 9984 : i32
        %dma_wait3A_33 = arith.constant 0 : i32
        %dma_wait3A_34 = tpu.memref_slice %dma_wait3A_31[%dma_wait3A_32, %dma_wait3A_33] : memref<10000x128xf32, #tpu.memory_space<hbm>> -> memref<16x128xf32, #tpu.memory_space<hbm>>
        %dma_wait3A_35 = arith.constant 9984 : i32
        %dma_wait3A_36 = arith.constant 0 : i32
        %dma_wait3A_37 = tpu.memref_slice %arg7[%dma_wait3A_35, %dma_wait3A_36] : memref<10000x128xf32, #tpu.memory_space<vmem_shared>> -> memref<16x128xf32, #tpu.memory_space<vmem_shared>>
        tpu.wait_dma2 semaphore(%run_scoped3A : memref<!tpu.dma_semaphore, #tpu.memory_space<semaphore_mem>>) src(%dma_wait3A_37 : memref<16x128xf32, #tpu.memory_space<vmem_shared>>) dst(%dma_wait3A_34 : memref<16x128xf32, #tpu.memory_space<hbm>>)
        tpu.yield
      }) : () -> ()
    } else {
    }
    return
  }
}

module attributes {stable_mosaic.version = 14 : i64} {
  func.func @_mm_body(%arg0: memref<10000x128xf32, #tpu.memory_space<vmem>>, %arg1: memref<128x128xf32, #tpu.memory_space<vmem>>, %arg2: memref<2x10000x8xf32, #tpu.memory_space<vmem>>, %arg3: memref<10000x128xf32, #tpu.memory_space<vmem>>) attributes {dimension_semantics = [], scalar_prefetch = 0 : i64, scratch_operands = 0 : i64, tpu.core_type = #tpu.core_type<tc>} {
    %get3A = arith.constant 0 : index
    %get3A_0 = arith.constant 0 : index
    %get3A_1 = arith.constant 0 : index
    %get3A_2 = vector.load %arg2[%get3A, %get3A_0, %get3A_1] : memref<2x10000x8xf32, #tpu.memory_space<vmem>>, vector<1x10000x1xf32>
    %get3A_3 = vector.shape_cast %get3A_2 : vector<1x10000x1xf32> to vector<10000x1xf32>
    %get3A_4 = arith.constant 1 : index
    %get3A_5 = arith.constant 0 : index
    %get3A_6 = arith.constant 0 : index
    %get3A_7 = vector.load %arg2[%get3A_4, %get3A_5, %get3A_6] : memref<2x10000x8xf32, #tpu.memory_space<vmem>>, vector<1x10000x1xf32>
    %get3A_8 = vector.shape_cast %get3A_7 : vector<1x10000x1xf32> to vector<10000x1xf32>
    %add3A = arith.addf %get3A_3, %get3A_8 : vector<10000x1xf32>
    %add3A_9 = arith.constant 1.000000e+00 : f32
    %add3A_10 = vector.broadcast %add3A_9 : f32 to vector<10000x1xf32>
    %add3A_11 = arith.addf %add3A, %add3A_10 : vector<10000x1xf32>
    %rsqrt3A = math.rsqrt %add3A_11 : vector<10000x1xf32>
    %get3A_12 = arith.constant 0 : index
    %get3A_13 = arith.constant 0 : index
    %get3A_14 = vector.load %arg0[%get3A_12, %get3A_13] : memref<10000x128xf32, #tpu.memory_space<vmem>>, vector<10000x128xf32>
    %get3A_15 = arith.constant 0 : index
    %get3A_16 = arith.constant 0 : index
    %get3A_17 = vector.load %arg1[%get3A_15, %get3A_16] : memref<128x128xf32, #tpu.memory_space<vmem>>, vector<128x128xf32>
    %dot_general3A = arith.constant dense<0.000000e+00> : vector<10000x128xf32>
    %dot_general3A_18 = tpu.matmul %get3A_14, %get3A_17, %dot_general3A {dimension_numbers = #tpu.dot_dimension_numbers<[1], [0], [0], [1], [0, 0, 1, 1], [], []>, transpose_lhs_hint = false} : vector<10000x128xf32>, vector<128x128xf32>, vector<10000x128xf32> -> vector<10000x128xf32>
    %mul3A = vector.broadcast %rsqrt3A : vector<10000x1xf32> to vector<10000x128xf32>
    %mul3A_19 = arith.mulf %dot_general3A_18, %mul3A : vector<10000x128xf32>
    %swap3A = arith.constant 0 : index
    %swap3A_20 = arith.constant 0 : index
    %swap3A_21 = vector.load %arg3[%swap3A, %swap3A_20] : memref<10000x128xf32, #tpu.memory_space<vmem>>, vector<10000x128xf32>
    tpu.vector_store %arg3[%swap3A, %swap3A_20], %mul3A_19 {strides = array<i32>} : memref<10000x128xf32, #tpu.memory_space<vmem>>, vector<10000x128xf32>,
    return
  }
}

module attributes {stable_mosaic.version = 14 : i64} {
  func.func @_fin_body(%arg0: memref<2x10000x128xf32, #tpu.memory_space<vmem>>, %arg1: memref<2x10000x8xf32, #tpu.memory_space<vmem>>, %arg2: memref<1x128xf32, #tpu.memory_space<vmem>>, %arg3: memref<10000x128xf32, #tpu.memory_space<vmem>>) attributes {dimension_semantics = [], scalar_prefetch = 0 : i64, scratch_operands = 0 : i64, tpu.core_type = #tpu.core_type<tc>} {
    %get3A = arith.constant 0 : index
    %get3A_0 = arith.constant 0 : index
    %get3A_1 = arith.constant 0 : index
    %get3A_2 = vector.load %arg1[%get3A, %get3A_0, %get3A_1] : memref<2x10000x8xf32, #tpu.memory_space<vmem>>, vector<1x10000x1xf32>
    %get3A_3 = vector.shape_cast %get3A_2 : vector<1x10000x1xf32> to vector<10000x1xf32>
    %get3A_4 = arith.constant 1 : index
    %get3A_5 = arith.constant 0 : index
    %get3A_6 = arith.constant 0 : index
    %get3A_7 = vector.load %arg1[%get3A_4, %get3A_5, %get3A_6] : memref<2x10000x8xf32, #tpu.memory_space<vmem>>, vector<1x10000x1xf32>
    %get3A_8 = vector.shape_cast %get3A_7 : vector<1x10000x1xf32> to vector<10000x1xf32>
    %add3A = arith.addf %get3A_3, %get3A_8 : vector<10000x1xf32>
    %add3A_9 = arith.constant 1.000000e+00 : f32
    %add3A_10 = vector.broadcast %add3A_9 : f32 to vector<10000x1xf32>
    %add3A_11 = arith.addf %add3A, %add3A_10 : vector<10000x1xf32>
    %rsqrt3A = math.rsqrt %add3A_11 : vector<10000x1xf32>
    %get3A_12 = arith.constant 0 : index
    %get3A_13 = arith.constant 0 : index
    %get3A_14 = arith.constant 0 : index
    %get3A_15 = vector.load %arg0[%get3A_12, %get3A_13, %get3A_14] : memref<2x10000x128xf32, #tpu.memory_space<vmem>>, vector<1x10000x128xf32>
    %get3A_16 = vector.shape_cast %get3A_15 : vector<1x10000x128xf32> to vector<10000x128xf32>
    %get3A_17 = arith.constant 1 : index
    %get3A_18 = arith.constant 0 : index
    %get3A_19 = arith.constant 0 : index
    %get3A_20 = vector.load %arg0[%get3A_17, %get3A_18, %get3A_19] : memref<2x10000x128xf32, #tpu.memory_space<vmem>>, vector<1x10000x128xf32>
    %get3A_21 = vector.shape_cast %get3A_20 : vector<1x10000x128xf32> to vector<10000x128xf32>
    %add3A_22 = arith.addf %get3A_16, %get3A_21 : vector<10000x128xf32>
    %mul3A = vector.broadcast %rsqrt3A : vector<10000x1xf32> to vector<10000x128xf32>
    %mul3A_23 = arith.mulf %add3A_22, %mul3A : vector<10000x128xf32>
    %get3A_24 = arith.constant 0 : index
    %get3A_25 = arith.constant 0 : index
    %get3A_26 = vector.load %arg2[%get3A_24, %get3A_25] : memref<1x128xf32, #tpu.memory_space<vmem>>, vector<1x128xf32>
    %add3A_27 = vector.broadcast %get3A_26 : vector<1x128xf32> to vector<10000x128xf32>
    %add3A_28 = arith.addf %mul3A_23, %add3A_27 : vector<10000x128xf32>
    %swap3A = arith.constant 0 : index
    %swap3A_29 = arith.constant 0 : index
    %swap3A_30 = vector.load %arg3[%swap3A, %swap3A_29] : memref<10000x128xf32, #tpu.memory_space<vmem>>, vector<10000x128xf32>
    tpu.vector_store %arg3[%swap3A, %swap3A_29], %add3A_28 {strides = array<i32>} : memref<10000x128xf32, #tpu.memory_space<vmem>>, vector<10000x128xf32>,
    return
  }
}

</mosaic_0001>

<sc_bundles>
// kernel: kernel.6.cloned.1.call-start
scs
__scs_entry_jumppad:
0x0: {  	(pc) =	sbr.rel $0x88, $3  }
0x1: {  	(tag) =	ssettag $0x0;
	lr =	simm.s32 $0x1  }
0x2: {  	[smem:$0x3F9D] =	sst lr;
	_ =	strace $0xD0000000  }
0x3: {  	_ = 	snop  }
0x4: {  	_ = 	snop  }
0x5: {  	_ = 	snop  }
0x6: {  	_ = 	snop  }
0x7: {  	_ = 	snop  }
__scs_overlays_trampoline_lowered:
0x8: {  	[smem:$0x3FAC] =	sst s0  }
0x9: {  	[smem:$0x3FAD] =	sst s1  }
0xa: {  	[smem:$0x3FAE] =	sst s2  }
0xb: {  	[smem:$0x3FAF] =	sst s3  }
0xc: {  	[smem:$0x3FB0] =	sst s4  }
0xd: {  	[smem:$0x3FB1] =	sst s5  }
0xe: {  	[smem:$0x3FB2] =	sst s6  }
0xf: {  	[smem:$0x3FB3] =	sst s7  }
0x10: {  	[smem:$0x3FB4] =	sst s8  }
0x11: {  	[smem:$0x3FB5] =	sst s9;
	s0 =	simm.s32 @!p0 $0x0  }
0x12: {  	s1 =	sld [smem:$0x3F9B];
	s0 =	simm.s32 @p0 $0x1  }
0x13: {  	[smem:$0x3FB6] =	sst s0;
	s0 =	simm.s32 @!p1 $0x0  }
0x14: {  	s2 =	sld [smem:$0x3F9A];
	s0 =	simm.s32 @p1 $0x1  }
0x15: {  	[smem:$0x3FB7] =	sst s0;
	s0 =	simm.s32 @!p2 $0x0  }
0x16: {  	s3 =	sld [smem:$0x3FDB];
	s0 =	simm.s32 @p2 $0x1  }
0x17: {  	s4 =	simm.s32 $0x1BF5;
	[smem:$0x3FB9] =	sst s0  }
0x18: {  	s0 =	sld [smem:$0x3F9C];
	_ =	swait.ge [sflag:s4], $0x0  }
0x19: {  	s7 =	sld [smem:$0x3F9D]  }
0x1a: {  	s8 =	sadd.s32 $0xFFFFE003, lr  }
0x1b: {  	s9 =	sadd.s32 $0xFFFFFEF7, lr;
	s5 =	simm.s32 $0xFFFFFFFF;
	p2 =	slt.u32 s8, $0xFFFFF086  }
0x1c: {  	p1 =	slt.u32 s9, $0xF7A;
	s5 =	simm.s32 @!p2 $0x0  }
0x1d: {  	s5 =	simm.s32 @p1 $0x1;
	p0 =	seq.s32 s7, s2  }
0x1e: {  	s7 =	smul.u32 @!p0 $0xF7A, s2;
	p2 =	seq.s32 @!p0 s5, $0x0  }
0x1f: {  	s9 =	smul.u32 $0xF7A, s1;
	s8 =	simm.s32 @!p0 $0x1BF5;
	p2 =	por !p2, p0  }
0x20: {  	[sflag:s8] =	ssyncset.s32 @!p0 $0xFFFFF086;
	s6 =	sadd.s32 @!p0 s3, s7;
	s7 =	simm.s32 @!p0 $0x108  }
0x21: {  	s3 =	sadd.s32 s3, s9;
	s6 =	sadd.s32 @!p0 $0x88, s6;
	s7 =	simm.s32 @p2 $0x1082  }
0x22: {  	[simem:s7], [sflag:s8] =	dma.local @!p0 [hbm:s6], $0xF7A  }
0x23: {  	s9 =	sor.u32 $0xD0000000, s2;
	s6 =	simm.s32 $0x108;
	_ =	swait.ge @!p0 [sflag:s8], $0x0  }
0x24: {  	s3 =	sadd.s32 $0x88, s3;
	s6 =	simm.s32 @!p1 $0x1082;
	[sflag:s4] =	ssyncset.s32 $0xFFFFF086  }
0x25: {  	[simem:s6], [sflag:s4] =	dma.local [hbm:s3], $0xF7A  }
0x26: {  	[smem:$0x3F9D] =	sst s1;
	(tag) =	ssettag s2;
	_ =	strace s9  }
0x27: {  	s1 =	sld [smem:$0x3FAD]  }
0x28: {  	s2 =	sld [smem:$0x3FAE]  }
0x29: {  	s4 =	sld [smem:$0x3FB0]  }
0x2a: {  	p0 =	seq.s32 s5, $0x0;
	s5 =	sld [smem:$0x3FB1]  }
0x2b: {  	s6 =	sld [smem:$0x3FB2]  }
0x2c: {  	s7 =	sld [smem:$0x3FB3]  }
0x2d: {  	s3 =	simm.s32 $0x108;
	s8 =	sld [smem:$0x3FB4]  }
0x2e: {  	s3 =	simm.s32 @!p0 $0x1082;
	s9 =	sld [smem:$0x3FB5]  }
0x2f: {  	lr =	sadd.s32 s0, s3;
	s0 =	sld [smem:$0x3FAC]  }
0x30: {  	s3 =	sld [smem:$0x3FAF]  }
0x31: {  	[smem:$0x3FB8] =	sst s10  }
0x32: {  	s10 =	sld [smem:$0x3FB6];
	_ =	sdelay $0x3  }
0x33: {  	p0 =	seq.s32 s10, $0x1;
	s10 =	sld [smem:$0x3FB8];
	_ =	sdelay $0x3  }
0x34: {  	[smem:$0x3FB8] =	sst s10  }
0x35: {  	s10 =	sld [smem:$0x3FB7];
	_ =	sdelay $0x3  }
0x36: {  	p1 =	seq.s32 s10, $0x1;
	s10 =	sld [smem:$0x3FB8];
	_ =	sdelay $0x3  }
0x37: {  	[smem:$0x3FB8] =	sst s10  }
0x38: {  	s10 =	sld [smem:$0x3FB9]  }
0x39: {  	_ = 	snop;
	(pc) =	sbr.ind lr, $3  }
0x3a: {  	_ = 	snop  }
0x3b: {  	_ = 	snop  }
0x3c: {  	p2 =	seq.s32 s10, $0x1;
	s10 =	sld [smem:$0x3FB8]  }
0x3d: {  	_ =	shalt  }
0x3e: {  	_ =	shalt  }
0x3f: {  	_ =	shalt  }
0x40: {  	_ =	shalt  }
0x41: {  	_ =	shalt  }
0x42: {  	_ =	shalt  }
0x43: {  	_ =	shalt  }
0x44: {  	_ =	shalt  }
0x45: {  	_ =	shalt  }
0x46: {  	_ =	shalt  }
0x47: {  	_ =	shalt  }
0x48: {  	_ =	shalt  }
0x49: {  	_ =	shalt  }
0x4a: {  	_ =	shalt  }
0x4b: {  	_ =	shalt  }
0x4c: {  	_ =	shalt  }
0x4d: {  	_ =	shalt  }
0x4e: {  	_ =	shalt  }
0x4f: {  	_ =	shalt  }
0x50: {  	_ =	shalt  }
0x51: {  	_ =	shalt  }
0x52: {  	_ =	shalt  }
0x53: {  	_ =	shalt  }
0x54: {  	_ =	shalt  }
0x55: {  	_ =	shalt  }
0x56: {  	_ =	shalt  }
0x57: {  	_ =	shalt  }
0x58: {  	_ =	shalt  }
0x59: {  	_ =	shalt  }
0x5a: {  	_ =	shalt  }
0x5b: {  	_ =	shalt  }
0x5c: {  	_ =	shalt  }
0x5d: {  	_ =	shalt  }
0x5e: {  	_ =	shalt  }
0x5f: {  	_ =	shalt  }
0x60: {  	_ =	shalt  }
0x61: {  	_ =	shalt  }
0x62: {  	_ =	shalt  }
0x63: {  	_ =	shalt  }
0x64: {  	_ =	shalt  }
0x65: {  	_ =	shalt  }
0x66: {  	_ =	shalt  }
0x67: {  	_ =	shalt  }
0x68: {  	_ =	shalt  }
0x69: {  	_ =	shalt  }
0x6a: {  	_ =	shalt  }
0x6b: {  	_ =	shalt  }
0x6c: {  	_ =	shalt  }
0x6d: {  	_ =	shalt  }
0x6e: {  	_ =	shalt  }
0x6f: {  	_ =	shalt  }
0x70: {  	_ =	shalt  }
0x71: {  	_ =	shalt  }
0x72: {  	_ =	shalt  }
0x73: {  	_ =	shalt  }
0x74: {  	_ =	shalt  }
0x75: {  	_ =	shalt  }
0x76: {  	_ =	shalt  }
0x77: {  	_ =	shalt  }
0x78: {  	_ =	shalt  }
0x79: {  	_ =	shalt  }
0x7a: {  	_ =	shalt  }
0x7b: {  	_ =	shalt  }
0x7c: {  	_ =	shalt  }
0x7d: {  	_ =	shalt  }
0x7e: {  	_ =	shalt  }
0x7f: {  	_ =	shalt  }
0x80: {  	_ =	shalt  }
0x81: {  	_ =	shalt  }
0x82: {  	_ =	shalt  }
0x83: {  	_ =	shalt  }
0x84: {  	_ =	shalt  }
0x85: {  	_ =	shalt  }
0x86: {  	_ =	shalt  }
0x87: {  	_ =	shalt  }
.Lfunc_end0:
.L_simem_size_0:
called_computation_lowered:
.L_overlay_start_0:
0x88: {  	s2 =	sld [smem:$0x3FD9]  }
0x89: {  	s3 =	sld [smem:$0x3FFE];
	_ =	sdelay $0x1  }
0x8a: {  	s1 =	srdreg.scid  }
0x8b: {  	s0 =	sand.u32 $0x1, s1  }
0x8c: {  	s17 =	sshll.u32 s0, $0xA;
	s2 =	sadd.s32 s3, s2  }
0x8d: {  	s2 =	sadd.s32 s2, s17  }
0x8e: {  	[smem:$0x3FC4] =	sst s2  }
0x8f: {  	_ = 	snop  }
0x90: {  	s2 =	sld [smem:$0x3FD0];
	(tm) =	ssettm $0x1  }
0x91: {  	s18 =	sld [smem:$0x3FFB];
	_ =	sdelay $0x3  }
0x92: {  	_ =	strace s18  }
0x93: {  	s3 =	sld [smem:$0x3FFC];
	_ =	sdelay $0x3  }
0x94: {  	_ =	strace s3  }
0x95: {  	s3 =	sld [smem:$0x3FFD];
	_ =	sdelay $0x3  }
0x96: {  	_ =	strace s3  }
0x97: {  	_ =	strace $0x8FFFFFFF  }
0x98: {  	s19 =	sld [smem:$0x3FDB];
	_ =	sdelay $0x1  }
0x99: {  	s4 =	simm.s32 $_scs_section_size  }
0x9a: {  	s5 =	simm.s32 $_size__tile_overlayer_lowered;
	s6 =	simm.s32 $_tile_overlayer_lowered  }
0x9b: {  	s22 =	simm.s32 $0x1BFF;
	s21 =	sshll.u32 s6, $0x1;
	s3 =	sadd.s32 s4, s19  }
0x9c: {  	s7 =	simm.s32 $0x0;
	s20 =	sshll.u32 s5, $0x1;
	s5 =	sadd.s32 s21, s3  }
0x9d: {  	[timem:s7], [sflag:s22] =	dma.local [hbm:s5], s20  }
0x9e: {  	_ =	swait.ge [sflag:s22], s20  }
0x9f: {  	s4 =	ssub.s32 $0x0, s20;
	[sflag:s22] =	ssyncset.done $0x0  }
0xa0: {  	[sflag:s22] =	ssyncadd.s32 s4;
	_ =	sdelay $0x1  }
0xa1: {  	s23 =	simm.s32 $0x1B8B  }
0xa2: {  	_ =	swait.ge [sflag:s23], $0x1  }
0xa3: {  	[sflag:s23] =	ssyncset.done $0x0  }
0xa4: {  	s25 =	simm.s32 $0x1B8E;
	s24 =	sld [smem:$0x3FFE];
	[sflag:s23] =	ssyncadd.s32 $0xFFFFFFFF  }
0xa5: {  	s26 =	simm.s32 $execute0_lowered;
	[smem:$0x3FD2] =	sst s25  }
0xa6: {  	s5 =	sshll.u32 s26, $0x1;
	_ =	strace $0x80000046;
	[dreg:$0x1] =	wrdreg $0xFFFFFFFF  }
0xa7: {  	s28 =	simm.s32 $_size_execute0_lowered;
	s3 =	sadd.s32 s3, s5;
	[dreg:$0x0] =	wrdreg $0x0  }
0xa8: {  	s5 =	sshll.u32 s28, $0x1;
	[dreg:$0x2] =	wrdreg s3  }
0xa9: {  	[dreg:$0x3] =	wrdreg s5  }
0xaa: {  	[dreg:$0x4] =	wrdreg $0xC0  }
0xab: {  	_ =	task [dreg:s7], $0x5FFFF  }
0xac: {  	[dreg:$0x1] =	wrdreg $0xFFFFFFFF  }
0xad: {  	[dreg:$0x0] =	wrdreg $0x60  }
0xae: {  	[dreg:$0x2] =	wrdreg s24  }
0xaf: {  	[dreg:$0x3] =	wrdreg s2  }
0xb0: {  	[dreg:$0x4] =	wrdreg $0x0  }
0xb1: {  	[dreg:$0x5] =	wrdreg $0x9  }
0xb2: {  	_ =	task.clear_ibuf [dreg:s7], $0x6FFFF;
	_ =	strace $0x90000046  }
0xb3: {  	s29 =	simm.s32 $0x9;
	_ =	strace $0x80000048  }
0xb4: {  	_ =	swait.ge [sflag:s29], $0x1  }
0xb5: {  	[sflag:s29] =	ssyncadd.s32 $0xFFFFFFFF  }
0xb6: {  	_ =	strace $0x90000048  }
0xb7: {  	_ =	sfence  }
0xb8: {  	s30 =	sld [smem:$0x0];
	_ =	sdelay $0x2  }
0xb9: {  	s31 =	sshll.u32 s1, $0xD;
	s1 =	sshrl.u32 s1, $0x2  }
0xba: {  	s3 =	sand.u32 $0x4000, s31;
	s1 =	sadd.s32 s1, s30  }
0xbb: {  	s0 =	sor.u32 s3, s0;
	s1 =	sshll.u32 s1, $0x11  }
0xbc: {  	s0 =	sor.u32 s1, s0  }
0xbd: {  	s0 =	sadd.s32 $0x8F2B, s0  }
0xbe: {  	[sflag:s0] =	ssyncadd.remote.s32 $0x1  }
0xbf: {  	_ =	sfence.sel $0xFFFF  }
0xc0: {  	[dreg:$0x0] =	wrdreg $0xFFFFFFFF;
	(pc) =	sbr.abs _section_cstart, $3  }
0xc1: {  	[dreg:$0x1] =	wrdreg $0xFFFFFFFF  }
0xc2: {  	_ =	task.clear_ibuf [dreg:s7], $0x2FFFF;
	_ =	strace $0x9FFFFFFF  }
0xc3: {  	(tm) =	ssettm $0x7FFFFFFF  }
tec
execute0_lowered:
.L_overlay_start_1:
0x0: {  	(tag) =	ssettag $0x1  }
0x1: {  	s5 =	rddreg [dreg:$0x0]  }
0x2: {  	s7 =	rddreg [dreg:$0x1]  }
0x3: {  	s1 =	rddreg [dreg:$0x2]  }
0x4: {  	s0 =	rddreg [dreg:$0x3];
	s2 =	simm.s32 $0x0;
	s3 =	srdreg.scid  }
0x5: {  	s14 =	simm.s32 $0x13880;
	s15 =	simm.s32 $0x50;
	s18 =	simm.s32 $0x0  }
0x6: {  	[smem:$0x7FF] =	sst s2;
	s4 =	sand.u32 $0x1, s3;
	s3 =	stileid.u32  }
0x7: {  	s13 =	sadd.s32 $0x138000, s1;
	_ =	strace $0x80000047;
	s8 =	smul.u32 $0x27100, s4  }
0x8: {  	s6 =	sshll.u32 s4, $0xB;
	s26 =	ssub.s32 $0x2, s4;
	s10 =	smul.u32 $0x4E000, s3  }
0x9: {  	s4 =	sadd.s32 $0x11200, s5;
	s16 =	smul.u32 $0x2700, s3;
	s30 =	sshll.u32 s3, $0x6  }
0xa: {  	s31 =	sshll.u32 s3, $0xC;
	p0 =	sne.s32 s3, $0xF;
	s9 =	sadd.s32 s6, s5  }
0xb: {  	s28 =	sshrl.u32 s26, $0x1;
	s6 =	sor.u32 $0x1C01, s30;
	s11 =	sadd.s32 s8, s5  }
0xc: {  	s12 =	ssub.s32 s26, s28;
	s29 =	sshrl.u32 s10, $0x2;
	s5 =	sadd.s32 s7, s16  }
0xd: {  	s8 =	sadd.s32 s31, s9;
	s7 =	sadd.s32 $0x27000, s7;
	s10 =	sadd.s32 s29, s1  }
0xe: {  	s8 =	sadd.s32 $0x1200, s8;
	s17 =	sadd.s32 $0x11800, s11;
	s9 =	smax.u32 s12, $0x1  }
0xf: {  	s11 =	simm.s32 $0x1;
	s12 =	sshrl.u32 @!p0 s13, $0x3;
	s13 =	simm.s32 $0x17880  }
0x10: {  	s10 =	sshrl.u32 s10, $0x3;
	s16 =	sadd.s32 s16, s17;
	s17 =	sadd.s32 @!p0 $0x27000, s17  }
.LBB2_1:
0x11: {  	[spmem:s10], [sflag:s6] =	dma.local [hbm:s5], $0x2700  }
0x12: {  	_ =	swait.ge [sflag:s11], $0x2700  }
0x13: {  	[sflag:s11] =	ssyncset.done $0x0  }
0x14: {  	s19 =	simm.s32 @!p0 $0x1;
	[sflag:s11] =	ssyncadd.s32 $0xFFFFD900  }
0x15: {  	[spmem:s12], [sflag:s6] =	dma.local @!p0 [hbm:s7], $0x100  }
0x16: {  	_ =	swait.ge @!p0 [sflag:s19], $0x100  }
0x17: {  	[sflag:s19] =	ssyncset.done @!p0 $0x0  }
0x18: {  	[sflag:s19] =	ssyncadd.s32 @!p0 $0xFFFFFF00  }
0x19: {  	[tilespmem:s13], [sflag:$0x1] =	stream.linear.gather [hbm4b:s4+s2], $0x2800, $0x38;
	[tilespmem:$0x1A080] =	vst v63  }
0x1a: {  	_ =	swait.ge [sflag:s11], $0x2800  }
0x1b: {  	[sflag:s11] =	ssyncset.done $0x0  }
0x1c: {  	[sflag:s11] =	ssyncadd.s32 $0xFFFFD800  }
0x1d: {  	[tilespmem:s14], [sflag:$0x1] =	stream.linear.gather [hbm4b:s8+s2], $0x3E80, $0x38;
	[tilespmem:$0x1A080] =	vst v63  }
0x1e: {  	_ =	swait.ge [sflag:s11], $0x3E80  }
0x1f: {  	[sflag:s11] =	ssyncset.done $0x0  }
0x20: {  	[sflag:s11] =	ssyncadd.s32 $0xFFFFC180  }
0x21: {  	s31 =	simm.s32 $0x13880;
	[bflag:$0x0] =	sbarrier.arrive $0xFFFF  }
0x22: {  	[spmem:s1] =	stream.indirect.scatter.add.f32 [tilespmem:s13], [sflag:$0x1], $0x80, s31, s15, $0xb8;
	[tilespmem:$0x1A080] =	vst v63  }
0x23: {  	s19 =	simm.s32 $0x200;
	_ =	swait.ge [sflag:s11], $0x2800  }
.LBB2_2:
0x24: {  	s20 =	sshra.s32 s19, $0x2;
	[sflag:s11] =	ssyncset.done $0x0;
	p1 =	sne.s32 s19, $0xF800  }
.Ltmp0:
0x25: {  	s20 =	sadd.s32 $0x13880, s20;
	[sflag:s11] =	ssyncadd.s32 $0xFFFFD800;
	(pc) =	sbr.rel @p1 .LBB2_2-.Ltmp0, $3  }
0x26: {  	[spmem:s1] =	stream.indirect.scatter.add.f32 [tilespmem:s13], [sflag:$0x1], $0x80, s20, s15, $0xb8;
	[tilespmem:$0x1A080] =	vst v63  }
0x27: {  	s19 =	sadd.s32 $0x200, s19;
	_ =	sdelay $0x1  }
0x28: {  	_ =	swait.ge [sflag:s11], $0x2800  }
0x29: {  	[sflag:s11] =	ssyncset.done $0x0  }
0x2a: {  	[sflag:s11] =	ssyncadd.s32 $0xFFFFD800  }
0x2b: {  	[bflag:$0x0] =	sbarrier.arrive $0xFFFF  }
0x2c: {  	[hbm:s16], [sflag:s6] =	dma.local [spmem:s10], $0x2700  }
0x2d: {  	s18 =	sadd.s32 $0x1, s18;
	_ =	swait.ge [sflag:s11], $0x2700  }
0x2e: {  	p1 =	sne.s32 s18, s9;
	[sflag:s11] =	ssyncset.done $0x0  }
.Ltmp1:
0x2f: {  	s19 =	simm.s32 @!p0 $0x1;
	[sflag:s11] =	ssyncadd.s32 $0xFFFFD900;
	(pc) =	sbr.rel @p1 .LBB2_1-.Ltmp1, $4  }
0x30: {  	[hbm:s17], [sflag:s6] =	dma.local @!p0 [spmem:s12], $0x100  }
0x31: {  	_ =	swait.ge @!p0 [sflag:s19], $0x100  }
0x32: {  	[sflag:s19] =	ssyncset.done @!p0 $0x0  }
0x33: {  	[sflag:s19] =	ssyncadd.s32 @!p0 $0xFFFFFF00  }
0x34: {  	_ =	sfence.sel $0x180000  }
0x35: {  	[bflag:$0x0] =	sbarrier.arrive $0xFFFF  }
0x36: {  	p0 =	sne.s32 s3, $0x0;
	_ =	strace $0x90000047  }
0x37: {  	s0 =	sadd.s32 @!p0 $0x100000, s0;
	[bflag:$0x2] =	sbarrier.arrive $0xFFFF  }
0x38: {  	[sflag:s0] =	ssyncadd.tile.s32 @!p0 $0x1;
	_ =	shalt  }
.Lfunc_end2:
_tile_overlayer_lowered:
.L_overlay_start_2:
0x39: {  	(tag) =	ssettag $0x2  }
0x3a: {  	s0 =	rddreg [dreg:$0x0];
	s2 =	stileid.u32  }
0x3b: {  	s1 =	rddreg [dreg:$0x1];
	p0 =	sne.s32 s2, $0x0  }
0x3c: {  	s3 =	rddreg [dreg:$0x2];
	[bflag:$0x3] =	sbarrier.arrive $0xFFFF;
	s2 =	simm.s32 @!p0 $0x1C01  }
0x3d: {  	[timem:s3], [sflag:s2] =	dma.local @!p0 [hbm:s0], s1  }
0x3e: {  	s0 =	simm.s32 @!p0 $0x1  }
0x3f: {  	_ =	swait.ge @!p0 [sflag:s0], s1  }
0x40: {  	s1 =	ssub.s32 @!p0 $0x0, s1;
	[sflag:s0] =	ssyncset.done @!p0 $0x0  }
0x41: {  	[sflag:s0] =	ssyncadd.s32 @!p0 s1  }
0x42: {  	[bflag:$0x3] =	sbarrier.arrive $0xFFFF  }
0x43: {  	_ =	shalt  }

// kernel: kernel.9.cloned.1.call-start
scs
__scs_entry_jumppad:
0x0: {  	(pc) =	sbr.rel $0x88, $3  }
0x1: {  	(tag) =	ssettag $0x0;
	lr =	simm.s32 $0x1  }
0x2: {  	[smem:$0x3F9D] =	sst lr;
	_ =	strace $0xD0000000  }
0x3: {  	_ = 	snop  }
0x4: {  	_ = 	snop  }
0x5: {  	_ = 	snop  }
0x6: {  	_ = 	snop  }
0x7: {  	_ = 	snop  }
__scs_overlays_trampoline_lowered:
0x8: {  	[smem:$0x3FAC] =	sst s0  }
0x9: {  	[smem:$0x3FAD] =	sst s1  }
0xa: {  	[smem:$0x3FAE] =	sst s2  }
0xb: {  	[smem:$0x3FAF] =	sst s3  }
0xc: {  	[smem:$0x3FB0] =	sst s4  }
0xd: {  	[smem:$0x3FB1] =	sst s5  }
0xe: {  	[smem:$0x3FB2] =	sst s6  }
0xf: {  	[smem:$0x3FB3] =	sst s7  }
0x10: {  	[smem:$0x3FB4] =	sst s8  }
0x11: {  	[smem:$0x3FB5] =	sst s9;
	s0 =	simm.s32 @!p0 $0x0  }
0x12: {  	s1 =	sld [smem:$0x3F9B];
	s0 =	simm.s32 @p0 $0x1  }
0x13: {  	[smem:$0x3FB6] =	sst s0;
	s0 =	simm.s32 @!p1 $0x0  }
0x14: {  	s2 =	sld [smem:$0x3F9A];
	s0 =	simm.s32 @p1 $0x1  }
0x15: {  	[smem:$0x3FB7] =	sst s0;
	s0 =	simm.s32 @!p2 $0x0  }
0x16: {  	s3 =	sld [smem:$0x3FDB];
	s0 =	simm.s32 @p2 $0x1  }
0x17: {  	s4 =	simm.s32 $0x1BF5;
	[smem:$0x3FB9] =	sst s0  }
0x18: {  	s0 =	sld [smem:$0x3F9C];
	_ =	swait.ge [sflag:s4], $0x0  }
0x19: {  	s7 =	sld [smem:$0x3F9D]  }
0x1a: {  	s8 =	sadd.s32 $0xFFFFE003, lr  }
0x1b: {  	s9 =	sadd.s32 $0xFFFFFEF7, lr;
	s5 =	simm.s32 $0xFFFFFFFF;
	p2 =	slt.u32 s8, $0xFFFFF086  }
0x1c: {  	p1 =	slt.u32 s9, $0xF7A;
	s5 =	simm.s32 @!p2 $0x0  }
0x1d: {  	s5 =	simm.s32 @p1 $0x1;
	p0 =	seq.s32 s7, s2  }
0x1e: {  	s7 =	smul.u32 @!p0 $0xF7A, s2;
	p2 =	seq.s32 @!p0 s5, $0x0  }
0x1f: {  	s9 =	smul.u32 $0xF7A, s1;
	s8 =	simm.s32 @!p0 $0x1BF5;
	p2 =	por !p2, p0  }
0x20: {  	[sflag:s8] =	ssyncset.s32 @!p0 $0xFFFFF086;
	s6 =	sadd.s32 @!p0 s3, s7;
	s7 =	simm.s32 @!p0 $0x108  }
0x21: {  	s3 =	sadd.s32 s3, s9;
	s6 =	sadd.s32 @!p0 $0x88, s6;
	s7 =	simm.s32 @p2 $0x1082  }
0x22: {  	[simem:s7], [sflag:s8] =	dma.local @!p0 [hbm:s6], $0xF7A  }
0x23: {  	s9 =	sor.u32 $0xD0000000, s2;
	s6 =	simm.s32 $0x108;
	_ =	swait.ge @!p0 [sflag:s8], $0x0  }
0x24: {  	s3 =	sadd.s32 $0x88, s3;
	s6 =	simm.s32 @!p1 $0x1082;
	[sflag:s4] =	ssyncset.s32 $0xFFFFF086  }
0x25: {  	[simem:s6], [sflag:s4] =	dma.local [hbm:s3], $0xF7A  }
0x26: {  	[smem:$0x3F9D] =	sst s1;
	(tag) =	ssettag s2;
	_ =	strace s9  }
0x27: {  	s1 =	sld [smem:$0x3FAD]  }
0x28: {  	s2 =	sld [smem:$0x3FAE]  }
0x29: {  	s4 =	sld [smem:$0x3FB0]  }
0x2a: {  	p0 =	seq.s32 s5, $0x0;
	s5 =	sld [smem:$0x3FB1]  }
0x2b: {  	s6 =	sld [smem:$0x3FB2]  }
0x2c: {  	s7 =	sld [smem:$0x3FB3]  }
0x2d: {  	s3 =	simm.s32 $0x108;
	s8 =	sld [smem:$0x3FB4]  }
0x2e: {  	s3 =	simm.s32 @!p0 $0x1082;
	s9 =	sld [smem:$0x3FB5]  }
0x2f: {  	lr =	sadd.s32 s0, s3;
	s0 =	sld [smem:$0x3FAC]  }
0x30: {  	s3 =	sld [smem:$0x3FAF]  }
0x31: {  	[smem:$0x3FB8] =	sst s10  }
0x32: {  	s10 =	sld [smem:$0x3FB6];
	_ =	sdelay $0x3  }
0x33: {  	p0 =	seq.s32 s10, $0x1;
	s10 =	sld [smem:$0x3FB8];
	_ =	sdelay $0x3  }
0x34: {  	[smem:$0x3FB8] =	sst s10  }
0x35: {  	s10 =	sld [smem:$0x3FB7];
	_ =	sdelay $0x3  }
0x36: {  	p1 =	seq.s32 s10, $0x1;
	s10 =	sld [smem:$0x3FB8];
	_ =	sdelay $0x3  }
0x37: {  	[smem:$0x3FB8] =	sst s10  }
0x38: {  	s10 =	sld [smem:$0x3FB9]  }
0x39: {  	_ = 	snop;
	(pc) =	sbr.ind lr, $3  }
0x3a: {  	_ = 	snop  }
0x3b: {  	_ = 	snop  }
0x3c: {  	p2 =	seq.s32 s10, $0x1;
	s10 =	sld [smem:$0x3FB8]  }
0x3d: {  	_ =	shalt  }
0x3e: {  	_ =	shalt  }
0x3f: {  	_ =	shalt  }
0x40: {  	_ =	shalt  }
0x41: {  	_ =	shalt  }
0x42: {  	_ =	shalt  }
0x43: {  	_ =	shalt  }
0x44: {  	_ =	shalt  }
0x45: {  	_ =	shalt  }
0x46: {  	_ =	shalt  }
0x47: {  	_ =	shalt  }
0x48: {  	_ =	shalt  }
0x49: {  	_ =	shalt  }
0x4a: {  	_ =	shalt  }
0x4b: {  	_ =	shalt  }
0x4c: {  	_ =	shalt  }
0x4d: {  	_ =	shalt  }
0x4e: {  	_ =	shalt  }
0x4f: {  	_ =	shalt  }
0x50: {  	_ =	shalt  }
0x51: {  	_ =	shalt  }
0x52: {  	_ =	shalt  }
0x53: {  	_ =	shalt  }
0x54: {  	_ =	shalt  }
0x55: {  	_ =	shalt  }
0x56: {  	_ =	shalt  }
0x57: {  	_ =	shalt  }
0x58: {  	_ =	shalt  }
0x59: {  	_ =	shalt  }
0x5a: {  	_ =	shalt  }
0x5b: {  	_ =	shalt  }
0x5c: {  	_ =	shalt  }
0x5d: {  	_ =	shalt  }
0x5e: {  	_ =	shalt  }
0x5f: {  	_ =	shalt  }
0x60: {  	_ =	shalt  }
0x61: {  	_ =	shalt  }
0x62: {  	_ =	shalt  }
0x63: {  	_ =	shalt  }
0x64: {  	_ =	shalt  }
0x65: {  	_ =	shalt  }
0x66: {  	_ =	shalt  }
0x67: {  	_ =	shalt  }
0x68: {  	_ =	shalt  }
0x69: {  	_ =	shalt  }
0x6a: {  	_ =	shalt  }
0x6b: {  	_ =	shalt  }
0x6c: {  	_ =	shalt  }
0x6d: {  	_ =	shalt  }
0x6e: {  	_ =	shalt  }
0x6f: {  	_ =	shalt  }
0x70: {  	_ =	shalt  }
0x71: {  	_ =	shalt  }
0x72: {  	_ =	shalt  }
0x73: {  	_ =	shalt  }
0x74: {  	_ =	shalt  }
0x75: {  	_ =	shalt  }
0x76: {  	_ =	shalt  }
0x77: {  	_ =	shalt  }
0x78: {  	_ =	shalt  }
0x79: {  	_ =	shalt  }
0x7a: {  	_ =	shalt  }
0x7b: {  	_ =	shalt  }
0x7c: {  	_ =	shalt  }
0x7d: {  	_ =	shalt  }
0x7e: {  	_ =	shalt  }
0x7f: {  	_ =	shalt  }
0x80: {  	_ =	shalt  }
0x81: {  	_ =	shalt  }
0x82: {  	_ =	shalt  }
0x83: {  	_ =	shalt  }
0x84: {  	_ =	shalt  }
0x85: {  	_ =	shalt  }
0x86: {  	_ =	shalt  }
0x87: {  	_ =	shalt  }
.Lfunc_end0:
.L_simem_size_0:
called_computation.1_lowered:
.L_overlay_start_0:
0x88: {  	s2 =	sld [smem:$0x3FD9]  }
0x89: {  	s3 =	sld [smem:$0x3FFE];
	_ =	sdelay $0x1  }
0x8a: {  	s1 =	srdreg.scid  }
0x8b: {  	s0 =	sand.u32 $0x1, s1  }
0x8c: {  	s17 =	sshll.u32 s0, $0xA;
	s2 =	sadd.s32 s3, s2  }
0x8d: {  	s2 =	sadd.s32 s2, s17  }
0x8e: {  	[smem:$0x3FC4] =	sst s2  }
0x8f: {  	_ = 	snop  }
0x90: {  	s2 =	sld [smem:$0x3FD0];
	(tm) =	ssettm $0x1  }
0x91: {  	s18 =	sld [smem:$0x3FFB];
	_ =	sdelay $0x3  }
0x92: {  	_ =	strace s18  }
0x93: {  	s3 =	sld [smem:$0x3FFC];
	_ =	sdelay $0x3  }
0x94: {  	_ =	strace s3  }
0x95: {  	s3 =	sld [smem:$0x3FFD];
	_ =	sdelay $0x3  }
0x96: {  	_ =	strace s3  }
0x97: {  	_ =	strace $0x8FFFFFFF  }
0x98: {  	s19 =	sld [smem:$0x3FDB];
	_ =	sdelay $0x1  }
0x99: {  	s4 =	simm.s32 $_scs_section_size  }
0x9a: {  	s5 =	simm.s32 $_size__tile_overlayer_lowered;
	s6 =	simm.s32 $_tile_overlayer_lowered  }
0x9b: {  	s22 =	simm.s32 $0x1BFF;
	s21 =	sshll.u32 s6, $0x1;
	s3 =	sadd.s32 s4, s19  }
0x9c: {  	s7 =	simm.s32 $0x0;
	s20 =	sshll.u32 s5, $0x1;
	s5 =	sadd.s32 s21, s3  }
0x9d: {  	[timem:s7], [sflag:s22] =	dma.local [hbm:s5], s20  }
0x9e: {  	_ =	swait.ge [sflag:s22], s20  }
0x9f: {  	s4 =	ssub.s32 $0x0, s20;
	[sflag:s22] =	ssyncset.done $0x0  }
0xa0: {  	[sflag:s22] =	ssyncadd.s32 s4;
	_ =	sdelay $0x1  }
0xa1: {  	s23 =	simm.s32 $0x1B8B  }
0xa2: {  	_ =	swait.ge [sflag:s23], $0x1  }
0xa3: {  	[sflag:s23] =	ssyncset.done $0x0  }
0xa4: {  	s25 =	simm.s32 $0x1B8E;
	s24 =	sld [smem:$0x3FFE];
	[sflag:s23] =	ssyncadd.s32 $0xFFFFFFFF  }
0xa5: {  	s26 =	simm.s32 $execute0_lowered;
	[smem:$0x3FD2] =	sst s25  }
0xa6: {  	s5 =	sshll.u32 s26, $0x1;
	_ =	strace $0x80000049;
	[dreg:$0x1] =	wrdreg $0xFFFFFFFF  }
0xa7: {  	s28 =	simm.s32 $_size_execute0_lowered;
	s3 =	sadd.s32 s3, s5;
	[dreg:$0x0] =	wrdreg $0x0  }
0xa8: {  	s5 =	sshll.u32 s28, $0x1;
	[dreg:$0x2] =	wrdreg s3  }
0xa9: {  	[dreg:$0x3] =	wrdreg s5  }
0xaa: {  	[dreg:$0x4] =	wrdreg $0xC0  }
0xab: {  	_ =	task [dreg:s7], $0x5FFFF  }
0xac: {  	[dreg:$0x1] =	wrdreg $0xFFFFFFFF  }
0xad: {  	[dreg:$0x0] =	wrdreg $0x60  }
0xae: {  	[dreg:$0x2] =	wrdreg s24  }
0xaf: {  	[dreg:$0x3] =	wrdreg s2  }
0xb0: {  	[dreg:$0x4] =	wrdreg $0x0  }
0xb1: {  	[dreg:$0x5] =	wrdreg $0x9  }
0xb2: {  	_ =	task.clear_ibuf [dreg:s7], $0x6FFFF;
	_ =	strace $0x90000049  }
0xb3: {  	s29 =	simm.s32 $0x9;
	_ =	strace $0x8000004B  }
0xb4: {  	_ =	swait.ge [sflag:s29], $0x1  }
0xb5: {  	[sflag:s29] =	ssyncadd.s32 $0xFFFFFFFF  }
0xb6: {  	_ =	strace $0x9000004B  }
0xb7: {  	_ =	sfence  }
0xb8: {  	s30 =	sld [smem:$0x0];
	_ =	sdelay $0x2  }
0xb9: {  	s31 =	sshll.u32 s1, $0xD;
	s1 =	sshrl.u32 s1, $0x2  }
0xba: {  	s3 =	sand.u32 $0x4000, s31;
	s1 =	sadd.s32 s1, s30  }
0xbb: {  	s0 =	sor.u32 s3, s0;
	s1 =	sshll.u32 s1, $0x11  }
0xbc: {  	s0 =	sor.u32 s1, s0  }
0xbd: {  	s0 =	sadd.s32 $0x8F2B, s0  }
0xbe: {  	[sflag:s0] =	ssyncadd.remote.s32 $0x1  }
0xbf: {  	_ =	sfence.sel $0xFFFF  }
0xc0: {  	[dreg:$0x0] =	wrdreg $0xFFFFFFFF;
	(pc) =	sbr.abs _section_cstart, $3  }
0xc1: {  	[dreg:$0x1] =	wrdreg $0xFFFFFFFF  }
0xc2: {  	_ =	task.clear_ibuf [dreg:s7], $0x2FFFF;
	_ =	strace $0x9FFFFFFF  }
0xc3: {  	(tm) =	ssettm $0x7FFFFFFF  }
tec
execute0_lowered:
.L_overlay_start_1:
0x0: {  	(tag) =	ssettag $0x1  }
0x1: {  	s6 =	rddreg [dreg:$0x0]  }
0x2: {  	s1 =	rddreg [dreg:$0x1]  }
0x3: {  	s3 =	rddreg [dreg:$0x2]  }
0x4: {  	s0 =	rddreg [dreg:$0x3];
	s5 =	srdreg.scid  }
0x5: {  	s4 =	simm.s32 $0x0;
	s2 =	stileid.u32;
	s16 =	simm.s32 $0x13880  }
0x6: {  	s17 =	simm.s32 $0x17880;
	s18 =	simm.s32 $0x50;
	s19 =	simm.s32 $0x1B880  }
0x7: {  	s20 =	simm.s32 $0x1;
	s12 =	sand.u32 $0x1, s5;
	s10 =	smul.u32 $0x4E000, s2  }
0x8: {  	[smem:$0x7FF] =	sst s4;
	s29 =	sshll.u32 s2, $0xC;
	s21 =	smul.u32 $0x2700, s2  }
0x9: {  	s23 =	sadd.s32 $0x138000, s3;
	p1 =	seq.s32 s2, $0xF;
	p2 =	sne.s32 s2, $0xF  }
0xa: {  	s7 =	sshll.u32 s12, $0xB;
	_ =	strace $0x8000004A;
	s30 =	smul.u32 $0x27100, s12  }
0xb: {  	s8 =	ssub.s32 $0x2, s12;
	p0 =	sne.s32 s12, $0x0;
	s15 =	sshrl.u32 s23, $0x3  }
0xc: {  	s23 =	sshrl.u32 @!p2 s23, $0x3;
	s5 =	sor.u32 s7, s29;
	s11 =	sshrl.u32 s8, $0x1  }
0xd: {  	s31 =	sshrl.u32 s10, $0x2;
	s9 =	sadd.s32 s5, s6;
	s5 =	sadd.s32 $0x11200, s6  }
0xe: {  	s13 =	sadd.s32 s30, s6;
	s11 =	ssub.s32 s8, s11;
	s14 =	sadd.s32 s31, s3  }
0xf: {  	s6 =	sadd.s32 s1, s21;
	s7 =	sadd.s32 s5, s21;
	s8 =	sadd.s32 $0x5FA00, s9  }
0x10: {  	s9 =	sadd.s32 $0x1200, s9;
	s22 =	sadd.s32 $0x6FA00, s13;
	s10 =	smax.u32 s11, $0x1  }
0x11: {  	s11 =	sshll.u32 s2, $0x6;
	s13 =	sshrl.u32 s14, $0x3;
	s14 =	simm.s32 $0x2  }
0x12: {  	s12 =	sor.u32 $0x1C02, s11;
	s21 =	sadd.s32 s21, s22;
	s22 =	sadd.s32 @!p2 $0x27000, s22  }
.LBB2_1:
.Ltmp0:
0x13: {  	(pc) =	sbr.rel @p0 .LBB2_3-.Ltmp0, $1  }
0x14: {  	_ =	sdelay $0x3  }
0x15: {  	[spmem:s13], [sflag:s12] =	dma.local [hbm:s7], $0x2700  }
.Ltmp1:
0x16: {  	_ = 	snop;
	(pc) =	sbr.rel @p1 .LBB2_4-.Ltmp1, $4  }
.Ltmp2:
0x17: {  	_ = 	snop;
	(pc) =	sbr.rel @!p1 .LBB2_5-.Ltmp2, $4  }
0x18: {  	_ =	swait.ge [sflag:s14], $0x2700  }
0x19: {  	[sflag:s14] =	ssyncset.done $0x0  }
0x1a: {  	s25 =	smov.u32 s5;
	s24 =	smov.u32 s12;
	[sflag:s14] =	ssyncadd.s32 $0xFFFFD900  }
0x1b: {  	_ = 	snop  }
.LBB2_3:
.Ltmp3:
0x1c: {  	s24 =	sor.u32 $0x1C02, s11;
	(pc) =	sbr.rel @p2 .LBB2_5-.Ltmp3, $4  }
0x1d: {  	[spmem:s13], [sflag:s24] =	dma.local [hbm:s6], $0x2700  }
0x1e: {  	_ =	swait.ge [sflag:s14], $0x2700  }
0x1f: {  	[sflag:s14] =	ssyncset.done $0x0  }
0x20: {  	s25 =	smov.u32 s1;
	[sflag:s14] =	ssyncadd.s32 $0xFFFFD900  }
.LBB2_4:
0x21: {  	s25 =	sadd.s32 $0x27000, s25  }
0x22: {  	[spmem:s15], [sflag:s24] =	dma.local [hbm:s25], $0x100  }
0x23: {  	_ =	swait.ge [sflag:s14], $0x100  }
0x24: {  	[sflag:s14] =	ssyncset.done $0x0  }
0x25: {  	[sflag:s14] =	ssyncadd.s32 $0xFFFFFF00  }
.LBB2_5:
0x26: {  	s24 =	simm.s32 $0x0  }
0x27: {  	[tilespmem:s16], [sflag:$0x2] =	stream.linear.gather [hbm4b:s8+s24], $0x3E80, $0x38;
	[tilespmem:$0x1E080] =	vst v63  }
0x28: {  	_ =	swait.ge [sflag:s14], $0x3E80  }
0x29: {  	[sflag:s14] =	ssyncset.done $0x0  }
0x2a: {  	[sflag:s14] =	ssyncadd.s32 $0xFFFFC180  }
0x2b: {  	[tilespmem:s17], [sflag:$0x2] =	stream.linear.gather [hbm4b:s9+s24], $0x3E80, $0x38;
	[tilespmem:$0x1E080] =	vst v63  }
0x2c: {  	_ =	swait.ge [sflag:s14], $0x3E80  }
0x2d: {  	[sflag:s14] =	ssyncset.done $0x0  }
0x2e: {  	[sflag:s14] =	ssyncadd.s32 $0xFFFFC180  }
0x2f: {  	s30 =	simm.s32 $0x13880;
	[bflag:$0x0] =	sbarrier.arrive $0xFFFF  }
0x30: {  	[tilespmem:s19], [sflag:$0x1] =	stream.indirect.gather [hbm4b:s5+s18], $0x80, s30, s18, $0xb8;
	[tilespmem:$0x1E080] =	vst v63  }
0x31: {  	_ =	swait.ge [sflag:s20], $0x2800  }
0x32: {  	[sflag:s20] =	ssyncset.done $0x0  }
0x33: {  	s31 =	simm.s32 $0x17880;
	[sflag:s20] =	ssyncadd.s32 $0xFFFFD800  }
0x34: {  	[spmem:s3] =	stream.indirect.scatter.add.f32 [tilespmem:s19], [sflag:$0x2], $0x80, s31, s18, $0xb8;
	[tilespmem:$0x1E080] =	vst v63  }
0x35: {  	_ =	swait.ge [sflag:s14], $0x2800  }
0x36: {  	s25 =	simm.s32 $0x400;
	s24 =	simm.s32 $0x80;
	[sflag:s14] =	ssyncset.done $0x0  }
.LBB2_6:
0x37: {  	s26 =	sadd.s32 $0x13880, s24  }
0x38: {  	[sflag:s14] =	ssyncadd.s32 $0xFFFFD800;
	s28 =	smov.u32 s25;
	s29 =	sadd.s32 $0x200, s25  }
0x39: {  	[tilespmem:s19], [sflag:$0x1] =	stream.indirect.gather [hbm4b:s5+s18], $0x80, s26, s18, $0xb8;
	[tilespmem:$0x1E080] =	vst v63  }
0x3a: {  	p3 =	sne.s32 s25, $0xF800;
	_ =	swait.ge [sflag:s20], $0x2800  }
.Ltmp4:
0x3b: {  	[sflag:s20] =	ssyncset.done $0x0;
	(pc) =	sbr.rel @p3 .LBB2_6-.Ltmp4, $4  }
0x3c: {  	s24 =	sadd.s32 $0x17880, s24;
	[sflag:s20] =	ssyncadd.s32 $0xFFFFD800  }
0x3d: {  	[spmem:s3] =	stream.indirect.scatter.add.f32 [tilespmem:s19], [sflag:$0x2], $0x80, s24, s18, $0xb8;
	[tilespmem:$0x1E080] =	vst v63  }
0x3e: {  	_ =	swait.ge [sflag:s14], $0x2800  }
0x3f: {  	s25 =	smov.u32 s29;
	s24 =	sshra.s32 s28, $0x2;
	[sflag:s14] =	ssyncset.done $0x0  }
0x40: {  	s25 =	sadd.s32 $0x13880, s24;
	[sflag:s14] =	ssyncadd.s32 $0xFFFFD800  }
0x41: {  	[tilespmem:s19], [sflag:$0x1] =	stream.indirect.gather [hbm4b:s5+s18], $0x80, s25, s18, $0xb8;
	[tilespmem:$0x1E080] =	vst v63  }
0x42: {  	_ =	swait.ge [sflag:s20], $0x2800  }
0x43: {  	[sflag:s20] =	ssyncset.done $0x0  }
0x44: {  	s31 =	sadd.s32 $0x17880, s24;
	[sflag:s20] =	ssyncadd.s32 $0xFFFFD800  }
0x45: {  	[spmem:s3] =	stream.indirect.scatter.add.f32 [tilespmem:s19], [sflag:$0x2], $0x80, s31, s18, $0xb8;
	[tilespmem:$0x1E080] =	vst v63  }
0x46: {  	_ =	swait.ge [sflag:s14], $0x2800  }
0x47: {  	[sflag:s14] =	ssyncset.done $0x0  }
0x48: {  	[sflag:s14] =	ssyncadd.s32 $0xFFFFD800  }
0x49: {  	[bflag:$0x0] =	sbarrier.arrive $0xFFFF  }
0x4a: {  	[hbm:s21], [sflag:s12] =	dma.local [spmem:s13], $0x2700  }
0x4b: {  	s4 =	sadd.s32 $0x1, s4;
	_ =	swait.ge [sflag:s14], $0x2700  }
0x4c: {  	p3 =	sne.s32 s4, s10;
	[sflag:s14] =	ssyncset.done $0x0  }
.Ltmp5:
0x4d: {  	s24 =	simm.s32 @!p2 $0x2;
	[sflag:s14] =	ssyncadd.s32 $0xFFFFD900;
	(pc) =	sbr.rel @p3 .LBB2_1-.Ltmp5, $4  }
0x4e: {  	[hbm:s22], [sflag:s12] =	dma.local @!p2 [spmem:s23], $0x100  }
0x4f: {  	_ =	swait.ge @!p2 [sflag:s24], $0x100  }
0x50: {  	[sflag:s24] =	ssyncset.done @!p2 $0x0  }
0x51: {  	[sflag:s24] =	ssyncadd.s32 @!p2 $0xFFFFFF00  }
0x52: {  	_ =	sfence.sel $0x180000  }
0x53: {  	[bflag:$0x0] =	sbarrier.arrive $0xFFFF  }
0x54: {  	p0 =	sne.s32 s2, $0x0;
	_ =	strace $0x9000004A  }
0x55: {  	s0 =	sadd.s32 @!p0 $0x100000, s0;
	[bflag:$0x2] =	sbarrier.arrive $0xFFFF  }
0x56: {  	[sflag:s0] =	ssyncadd.tile.s32 @!p0 $0x1;
	_ =	shalt  }
.Lfunc_end2:
_tile_overlayer_lowered:
.L_overlay_start_2:
0x57: {  	(tag) =	ssettag $0x2  }
0x58: {  	s0 =	rddreg [dreg:$0x0];
	s2 =	stileid.u32  }
0x59: {  	s1 =	rddreg [dreg:$0x1];
	p0 =	sne.s32 s2, $0x0  }
0x5a: {  	s3 =	rddreg [dreg:$0x2];
	[bflag:$0x3] =	sbarrier.arrive $0xFFFF;
	s2 =	simm.s32 @!p0 $0x1C02  }
0x5b: {  	[timem:s3], [sflag:s2] =	dma.local @!p0 [hbm:s0], s1  }
0x5c: {  	s0 =	simm.s32 @!p0 $0x2  }
0x5d: {  	_ =	swait.ge @!p0 [sflag:s0], s1  }
0x5e: {  	s1 =	ssub.s32 @!p0 $0x0, s1;
	[sflag:s0] =	ssyncset.done @!p0 $0x0  }
0x5f: {  	[sflag:s0] =	ssyncadd.s32 @!p0 s1  }
0x60: {  	[bflag:$0x3] =	sbarrier.arrive $0xFFFF  }
0x61: {  	_ =	shalt  }

</sc_bundles>
